<compile_context>
chip_gen: v7x
topology: tpu7x:2x2x1
jax: 0.10.2.dev20260603
libtpu: 0.0.44.dev20260713+nightly
codegen_flags: <defaults>
</compile_context>

<pallas_src>
import functools
import math

import jax
import jax.numpy as jnp
from jax import lax
from jax.experimental import pallas as pl
from jax.experimental.pallas import tpu as pltpu
from jax.experimental.pallas import tpu_sc as plsc

_SMOOTHING = 0.1
_CONFIDENCE = 1.0 - _SMOOTHING

_NW = 32
_NC = 2
_RPW = 16


def _tc_kernel(inp_ref, mask_ref, out_ref, num_ref, den_ref, *,
               nblocks, V, C):
    b = pl.program_id(0)

    @pl.when(b == 0)
    def _init():
        num_ref[:, :] = jnp.zeros_like(num_ref)
        den_ref[:, :] = jnp.zeros_like(den_ref)

    eps = _SMOOTHING / (V - 1)
    x = inp_ref[:, :]
    col = jax.lax.broadcasted_iota(jnp.int32, x.shape, 1)
    x = jnp.where(col < V, x, 0.0)
    asum = jnp.sum(x, axis=1, keepdims=True)
    m = mask_ref[:, :]
    num_ref[:, :] += jnp.sum(m * (C - eps * asum), keepdims=True)
    den_ref[:, :] += jnp.sum(m, keepdims=True)

    @pl.when(b == nblocks - 1)
    def _finish():
        out_ref[:, 0:1] = num_ref[:, :]
        out_ref[:, 1:2] = den_ref[:, :]


def _sc_kernel(inp_ref, tgt_ref, mask_ref, out_ref, buf0, buf1, idx_v, m_v,
               res_v, sem0, sem1):
    wid = lax.axis_index("s") * _NC + lax.axis_index("c")
    base = wid * _RPW

    pltpu.sync_copy(tgt_ref.at[pl.ds(pl.multiple_of(base, 8), _RPW)], idx_v)
    pltpu.sync_copy(mask_ref.at[pl.ds(pl.multiple_of(base, 8), _RPW)], m_v)

    sems = [sem0, sem1]
    bufs = [buf0, buf1]
    tvec = idx_v[...]
    mvec = m_v[...]
    lane = lax.iota(jnp.int32, 16)

    def start(r):
        rbase = pl.multiple_of(base + (r // 8) * 8, 8)
        ct = pl.multiple_of(lax.bitwise_and(tvec[r], -128), 128)
        return pltpu.async_copy(
            inp_ref.at[pl.ds(rbase, 8), pl.ds(ct, 128)],
            bufs[r % 2], sems[r % 2])

    handles = [start(0), None]
    for r in range(_RPW):
        if r + 1 < _RPW:
            handles[(r + 1) % 2] = start(r + 1)
        handles[r % 2].wait()
        cbuf = bufs[r % 2]
        t_r = tvec[r]
        v16 = lax.bitwise_and(t_r, 15)
        vstart = pl.multiple_of(
            lax.bitwise_and(t_r, -16) - lax.bitwise_and(t_r, -128), 16)
        tv = cbuf[r % 8, pl.ds(vstart, 16)]
        hit = lane == jnp.broadcast_to(v16, (16,))
        res_v[r, :] = mvec[r] * jnp.where(hit, tv, 0.0)
    pltpu.sync_copy(res_v, out_ref.at[wid])


def kernel(input, target, mask):
    S = input.shape[1]
    V = input.shape[-1]
    target = target[:, :S]
    mask = mask[:, :S]
    inp = input.reshape(-1, V)
    N = inp.shape[0]
    tgt = target.reshape(N).astype(jnp.int32)
    m = mask.reshape(N).astype(jnp.float32)

    eps = _SMOOTHING / (V - 1)
    C = (V - 1) * eps * math.log(eps) + _CONFIDENCE * math.log(_CONFIDENCE)

    R = 32
    nblocks = N // R
    tc_out = pl.pallas_call(
        functools.partial(_tc_kernel, nblocks=nblocks, V=V, C=C),
        grid=(nblocks,),
        in_specs=[
            pl.BlockSpec((R, V), lambda b: (b, 0)),
            pl.BlockSpec((R, 1), lambda b: (b, 0)),
        ],
        out_specs=pl.BlockSpec((1, 2), lambda b: (0, 0)),
        out_shape=jax.ShapeDtypeStruct((1, 2), jnp.float32),
        scratch_shapes=[pltpu.VMEM((1, 1), jnp.float32),
                        pltpu.VMEM((1, 1), jnp.float32)],
    )(inp, m.reshape(N, 1))

    mesh = plsc.VectorSubcoreMesh(core_axis_name="c", subcore_axis_name="s")
    sc_fn = functools.partial(
        pl.kernel,
        mesh=mesh,
        out_type=jax.ShapeDtypeStruct((_NW, _RPW, 16), jnp.float32),
        scratch_types=[
            pltpu.VMEM((8, 128), jnp.float32),
            pltpu.VMEM((8, 128), jnp.float32),
            pltpu.VMEM((_RPW,), jnp.int32),
            pltpu.VMEM((_RPW,), jnp.float32),
            pltpu.VMEM((_RPW, 16), jnp.float32),
            pltpu.SemaphoreType.DMA,
            pltpu.SemaphoreType.DMA,
        ],
    )(_sc_kernel)
    sc_out = sc_fn(inp, tgt, m)

    num = tc_out[0, 0] - (_CONFIDENCE - eps) * jnp.sum(sc_out)
    den = tc_out[0, 1]
    return num / den

# --- scband reference (transcript-rebuilt; emitter-appended) ---
"""Pipeline reference for scband-label-smoothing-59081570124556 (READ-ONLY COPY).

The authoritative reference and input builder live on the scoring server;
editing this copy changes nothing except your own understanding.
"""

import jax, jax.numpy as jnp
import numpy as np

SMOOTHING = 0.1
CONFIDENCE = 1.0 - SMOOTHING


def setup_inputs(seed: int = 0) -> dict:
    key = jax.random.key(seed)
    k1, k2 = jax.random.split(key)
    inp = jax.random.normal(k1, (16, 32, 100000), dtype=jnp.float32)
    target = jax.random.randint(k2, (16, 32), 0, 100000, dtype=jnp.int64)
    mask = jnp.ones((16, 32), dtype=jnp.float32)
    return {"input": inp, "target": target, "mask": mask}


def reference(input, target, mask):
    # target/mask are 2D here, so the ndim==3 branch is a no-op
    S = input.shape[1]
    V = input.shape[-1]
    target = target[:, :S]
    mask = mask[:, :S]
    inp = input.reshape(-1, V)
    tgt = target.reshape(-1)
    m = mask.reshape(-1)
    N = inp.shape[0]
    # true_dist is built from constants (detached in the torch original)
    true_dist = jnp.full((N, V), SMOOTHING / (V - 1), dtype=inp.dtype)
    true_dist = true_dist.at[jnp.arange(N), tgt].set(CONFIDENCE)
    # KLDivLoss(reduce=False): target * (log(target) - input), elementwise
    kl = true_dist * (jnp.log(true_dist) - inp)
    loss = (kl.sum(axis=1) * m).sum() / m.sum()
    return loss

if __name__ == "__main__":
    import jax
    _d = setup_inputs()
    print(jax.jit(kernel)(*tuple(_d.values())))

</pallas_src>

<mosaic_0001>
#map = affine_map<(d0, d1) -> (0, 0)>
#map1 = affine_map<(d0, d1) -> (0)>
#map2 = affine_map<(d0, d1) -> (0, 0, 0)>
module attributes {stable_mosaic.version = 14 : i64} {
  func.func @_sc_kernel(%arg0: i32, %arg1: i32, %arg2: memref<512x100000xf32, #tpu.memory_space<hbm>>, %arg3: memref<512xi32, #tpu.memory_space<hbm>>, %arg4: memref<512xf32, #tpu.memory_space<hbm>>, %arg5: memref<32x16x16xf32, #tpu.memory_space<hbm>>, %arg6: memref<8x128xf32, #tpu.memory_space<vmem>>, %arg7: memref<8x128xf32, #tpu.memory_space<vmem>>, %arg8: memref<16xi32, #tpu.memory_space<vmem>>, %arg9: memref<16xf32, #tpu.memory_space<vmem>>, %arg10: memref<16x16xf32, #tpu.memory_space<vmem>>, %arg11: memref<!tpu.dma_semaphore, #tpu.memory_space<semaphore_mem>>, %arg12: memref<!tpu.dma_semaphore, #tpu.memory_space<semaphore_mem>>) attributes {dimension_semantics = [#tpu.dimension_semantics<core_parallel>, #tpu.dimension_semantics<subcore_parallel>], iteration_bounds = array<i64: 2, 16>, scalar_prefetch = 0 : i64, scratch_operands = 7 : i64, tpu.core_type = #tpu.core_type<sc_vector_subcore>, window_params = [{transform_indices = #map}, {transform_indices = #map1}, {transform_indices = #map1}, {transform_indices = #map2}]} {
    %mul3A = arith.constant 2 : i32
    %mul3A_0 = arith.muli %arg1, %mul3A : i32
    %add3A = arith.addi %mul3A_0, %arg0 : i32
    %mul3A_1 = arith.constant 16 : i32
    %mul3A_2 = arith.muli %add3A, %mul3A_1 : i32
    %multiple_of3A = tpu.assume_multiple %mul3A_2, 8 : i32
    "tpu.region"() ({
      %run_scoped3A = tpu.sem_alloc : memref<!tpu.dma_semaphore, #tpu.memory_space<semaphore_mem>>
      %dma_start3A_670 = tpu.memref_slice %arg3[%multiple_of3A] : memref<512xi32, #tpu.memory_space<hbm>> -> memref<16xi32, #tpu.memory_space<hbm>>
      %dma_start3A_671 = tpu.memref_slice %arg3[%multiple_of3A] : memref<512xi32, #tpu.memory_space<hbm>> -> memref<16xi32, #tpu.memory_space<hbm>>
      tpu.enqueue_dma source(%dma_start3A_671 : memref<16xi32, #tpu.memory_space<hbm>>) target(%arg8 : memref<16xi32, #tpu.memory_space<vmem>>) target_semaphore(%run_scoped3A : memref<!tpu.dma_semaphore, #tpu.memory_space<semaphore_mem>>)
      %dma_wait3A_672 = tpu.memref_slice %arg3[%multiple_of3A] : memref<512xi32, #tpu.memory_space<hbm>> -> memref<16xi32, #tpu.memory_space<hbm>>
      %dma_wait3A_673 = tpu.memref_slice %arg3[%multiple_of3A] : memref<512xi32, #tpu.memory_space<hbm>> -> memref<16xi32, #tpu.memory_space<hbm>>
      tpu.wait_dma2 semaphore(%run_scoped3A : memref<!tpu.dma_semaphore, #tpu.memory_space<semaphore_mem>>) src(%dma_wait3A_673 : memref<16xi32, #tpu.memory_space<hbm>>) dst(%arg8 : memref<16xi32, #tpu.memory_space<vmem>>)
      tpu.yield
    }) : () -> ()
    %multiple_of3A_3 = tpu.assume_multiple %mul3A_2, 8 : i32
    "tpu.region"() ({
      %run_scoped3A = tpu.sem_alloc : memref<!tpu.dma_semaphore, #tpu.memory_space<semaphore_mem>>
      %dma_start3A_670 = tpu.memref_slice %arg4[%multiple_of3A_3] : memref<512xf32, #tpu.memory_space<hbm>> -> memref<16xf32, #tpu.memory_space<hbm>>
      %dma_start3A_671 = tpu.memref_slice %arg4[%multiple_of3A_3] : memref<512xf32, #tpu.memory_space<hbm>> -> memref<16xf32, #tpu.memory_space<hbm>>
      tpu.enqueue_dma source(%dma_start3A_671 : memref<16xf32, #tpu.memory_space<hbm>>) target(%arg9 : memref<16xf32, #tpu.memory_space<vmem>>) target_semaphore(%run_scoped3A : memref<!tpu.dma_semaphore, #tpu.memory_space<semaphore_mem>>)
      %dma_wait3A_672 = tpu.memref_slice %arg4[%multiple_of3A_3] : memref<512xf32, #tpu.memory_space<hbm>> -> memref<16xf32, #tpu.memory_space<hbm>>
      %dma_wait3A_673 = tpu.memref_slice %arg4[%multiple_of3A_3] : memref<512xf32, #tpu.memory_space<hbm>> -> memref<16xf32, #tpu.memory_space<hbm>>
      tpu.wait_dma2 semaphore(%run_scoped3A : memref<!tpu.dma_semaphore, #tpu.memory_space<semaphore_mem>>) src(%dma_wait3A_673 : memref<16xf32, #tpu.memory_space<hbm>>) dst(%arg9 : memref<16xf32, #tpu.memory_space<vmem>>)
      tpu.yield
    }) : () -> ()
    %get3A = arith.constant 0 : index
    %get3A_4 = tpu.vector_load %arg8[%get3A] {strides = array<i32>} : memref<16xi32, #tpu.memory_space<vmem>>, vector<16xi32>,
    %get3A_5 = vector.shape_cast %get3A_4 : vector<16xi32> to vector<16xi32>
    %get3A_6 = arith.constant 0 : index
    %get3A_7 = tpu.vector_load %arg9[%get3A_6] {strides = array<i32>} : memref<16xf32, #tpu.memory_space<vmem>>, vector<16xf32>,
    %get3A_8 = vector.shape_cast %get3A_7 : vector<16xf32> to vector<16xf32>
    %iota3A = tpu.iota {dimensions = array<i32: 0>} : vector<16xi32>
    %add3A_9 = arith.constant 0 : i32
    %add3A_10 = arith.addi %mul3A_2, %add3A_9 : i32
    %multiple_of3A_11 = tpu.assume_multiple %add3A_10, 8 : i32
    %slice3A = vector.extract_strided_slice %get3A_5 {offsets = [0], sizes = [1], strides = [1]} : vector<16xi32> to vector<1xi32>
    %squeeze3A = vector.extract %slice3A[0] : i32 from vector<1xi32>
    %and3A = arith.constant -128 : i32
    %and3A_12 = arith.andi %squeeze3A, %and3A : i32
    %multiple_of3A_13 = tpu.assume_multiple %and3A_12, 128 : i32
    %dma_start3A = tpu.memref_slice %arg2[%multiple_of3A_11, %multiple_of3A_13] : memref<512x100000xf32, #tpu.memory_space<hbm>> -> memref<8x128xf32, #tpu.memory_space<hbm>>
    %dma_start3A_14 = tpu.memref_slice %arg2[%multiple_of3A_11, %multiple_of3A_13] : memref<512x100000xf32, #tpu.memory_space<hbm>> -> memref<8x128xf32, #tpu.memory_space<hbm>>
    tpu.enqueue_dma source(%dma_start3A_14 : memref<8x128xf32, #tpu.memory_space<hbm>>) target(%arg6 : memref<8x128xf32, #tpu.memory_space<vmem>>) target_semaphore(%arg11 : memref<!tpu.dma_semaphore, #tpu.memory_space<semaphore_mem>>)
    %add3A_15 = arith.constant 0 : i32
    %add3A_16 = arith.addi %mul3A_2, %add3A_15 : i32
    %multiple_of3A_17 = tpu.assume_multiple %add3A_16, 8 : i32
    %slice3A_18 = vector.extract_strided_slice %get3A_5 {offsets = [1], sizes = [1], strides = [1]} : vector<16xi32> to vector<1xi32>
    %squeeze3A_19 = vector.extract %slice3A_18[0] : i32 from vector<1xi32>
    %and3A_20 = arith.constant -128 : i32
    %and3A_21 = arith.andi %squeeze3A_19, %and3A_20 : i32
    %multiple_of3A_22 = tpu.assume_multiple %and3A_21, 128 : i32
    %dma_start3A_23 = tpu.memref_slice %arg2[%multiple_of3A_17, %multiple_of3A_22] : memref<512x100000xf32, #tpu.memory_space<hbm>> -> memref<8x128xf32, #tpu.memory_space<hbm>>
    %dma_start3A_24 = tpu.memref_slice %arg2[%multiple_of3A_17, %multiple_of3A_22] : memref<512x100000xf32, #tpu.memory_space<hbm>> -> memref<8x128xf32, #tpu.memory_space<hbm>>
    tpu.enqueue_dma source(%dma_start3A_24 : memref<8x128xf32, #tpu.memory_space<hbm>>) target(%arg7 : memref<8x128xf32, #tpu.memory_space<vmem>>) target_semaphore(%arg12 : memref<!tpu.dma_semaphore, #tpu.memory_space<semaphore_mem>>)
    %dma_wait3A = tpu.memref_slice %arg2[%multiple_of3A_11, %multiple_of3A_13] : memref<512x100000xf32, #tpu.memory_space<hbm>> -> memref<8x128xf32, #tpu.memory_space<hbm>>
    %dma_wait3A_25 = tpu.memref_slice %arg2[%multiple_of3A_11, %multiple_of3A_13] : memref<512x100000xf32, #tpu.memory_space<hbm>> -> memref<8x128xf32, #tpu.memory_space<hbm>>
    tpu.wait_dma2 semaphore(%arg11 : memref<!tpu.dma_semaphore, #tpu.memory_space<semaphore_mem>>) src(%dma_wait3A_25 : memref<8x128xf32, #tpu.memory_space<hbm>>) dst(%arg6 : memref<8x128xf32, #tpu.memory_space<vmem>>)
    %slice3A_26 = vector.extract_strided_slice %get3A_5 {offsets = [0], sizes = [1], strides = [1]} : vector<16xi32> to vector<1xi32>
    %squeeze3A_27 = vector.extract %slice3A_26[0] : i32 from vector<1xi32>
    %and3A_28 = arith.constant 15 : i32
    %and3A_29 = arith.andi %squeeze3A_27, %and3A_28 : i32
    %and3A_30 = arith.constant -16 : i32
    %and3A_31 = arith.andi %squeeze3A_27, %and3A_30 : i32
    %and3A_32 = arith.constant -128 : i32
    %and3A_33 = arith.andi %squeeze3A_27, %and3A_32 : i32
    %sub3A = arith.subi %and3A_31, %and3A_33 : i32
    %multiple_of3A_34 = tpu.assume_multiple %sub3A, 16 : i32
    %get3A_35 = arith.constant 0 : i32
    %get3A_36 = arith.index_cast %get3A_35 : i32 to index
    %get3A_37 = arith.index_cast %multiple_of3A_34 : i32 to index
    %get3A_38 = tpu.vector_load %arg6[%get3A_36, %get3A_37] {strides = array<i32>} : memref<8x128xf32, #tpu.memory_space<vmem>>, vector<1x16xf32>,
    %get3A_39 = vector.shape_cast %get3A_38 : vector<1x16xf32> to vector<16xf32>
    %broadcast_in_dim3A = vector.broadcast %and3A_29 : i32 to vector<16xi32>
    %eq3A = arith.cmpi eq, %iota3A, %broadcast_in_dim3A : vector<16xi32>
    %slice3A_40 = vector.extract_strided_slice %get3A_8 {offsets = [0], sizes = [1], strides = [1]} : vector<16xf32> to vector<1xf32>
    %squeeze3A_41 = vector.extract %slice3A_40[0] : f32 from vector<1xf32>
    %jit3A = arith.constant 0.000000e+00 : f32
    %broadcast_in_dim3A_42 = vector.broadcast %jit3A : f32 to vector<16xf32>
    %select_n3A = arith.select %eq3A, %get3A_39, %broadcast_in_dim3A_42 : vector<16xi1>, vector<16xf32>
    %mul3A_43 = vector.broadcast %squeeze3A_41 : f32 to vector<16xf32>
    %mul3A_44 = arith.mulf %mul3A_43, %select_n3A : vector<16xf32>
    %swap3A = arith.constant 0 : i32
    %swap3A_45 = arith.index_cast %swap3A : i32 to index
    %swap3A_46 = arith.constant 0 : index
    %swap3A_47 = tpu.vector_load %arg10[%swap3A_45, %swap3A_46] {strides = array<i32>} : memref<16x16xf32, #tpu.memory_space<vmem>>, vector<1x16xf32>,
    %swap3A_48 = vector.shape_cast %swap3A_47 : vector<1x16xf32> to vector<16xf32>
    %swap3A_49 = vector.shape_cast %mul3A_44 : vector<16xf32> to vector<1x16xf32>
    tpu.vector_store %arg10[%swap3A_45, %swap3A_46], %swap3A_49 {strides = array<i32>} : memref<16x16xf32, #tpu.memory_space<vmem>>, vector<1x16xf32>,
    %add3A_50 = arith.constant 0 : i32
    %add3A_51 = arith.addi %mul3A_2, %add3A_50 : i32
    %multiple_of3A_52 = tpu.assume_multiple %add3A_51, 8 : i32
    %slice3A_53 = vector.extract_strided_slice %get3A_5 {offsets = [2], sizes = [1], strides = [1]} : vector<16xi32> to vector<1xi32>
    %squeeze3A_54 = vector.extract %slice3A_53[0] : i32 from vector<1xi32>
    %and3A_55 = arith.constant -128 : i32
    %and3A_56 = arith.andi %squeeze3A_54, %and3A_55 : i32
    %multiple_of3A_57 = tpu.assume_multiple %and3A_56, 128 : i32
    %dma_start3A_58 = tpu.memref_slice %arg2[%multiple_of3A_52, %multiple_of3A_57] : memref<512x100000xf32, #tpu.memory_space<hbm>> -> memref<8x128xf32, #tpu.memory_space<hbm>>
    %dma_start3A_59 = tpu.memref_slice %arg2[%multiple_of3A_52, %multiple_of3A_57] : memref<512x100000xf32, #tpu.memory_space<hbm>> -> memref<8x128xf32, #tpu.memory_space<hbm>>
    tpu.enqueue_dma source(%dma_start3A_59 : memref<8x128xf32, #tpu.memory_space<hbm>>) target(%arg6 : memref<8x128xf32, #tpu.memory_space<vmem>>) target_semaphore(%arg11 : memref<!tpu.dma_semaphore, #tpu.memory_space<semaphore_mem>>)
    %dma_wait3A_60 = tpu.memref_slice %arg2[%multiple_of3A_17, %multiple_of3A_22] : memref<512x100000xf32, #tpu.memory_space<hbm>> -> memref<8x128xf32, #tpu.memory_space<hbm>>
    %dma_wait3A_61 = tpu.memref_slice %arg2[%multiple_of3A_17, %multiple_of3A_22] : memref<512x100000xf32, #tpu.memory_space<hbm>> -> memref<8x128xf32, #tpu.memory_space<hbm>>
    tpu.wait_dma2 semaphore(%arg12 : memref<!tpu.dma_semaphore, #tpu.memory_space<semaphore_mem>>) src(%dma_wait3A_61 : memref<8x128xf32, #tpu.memory_space<hbm>>) dst(%arg7 : memref<8x128xf32, #tpu.memory_space<vmem>>)
    %slice3A_62 = vector.extract_strided_slice %get3A_5 {offsets = [1], sizes = [1], strides = [1]} : vector<16xi32> to vector<1xi32>
    %squeeze3A_63 = vector.extract %slice3A_62[0] : i32 from vector<1xi32>
    %and3A_64 = arith.constant 15 : i32
    %and3A_65 = arith.andi %squeeze3A_63, %and3A_64 : i32
    %and3A_66 = arith.constant -16 : i32
    %and3A_67 = arith.andi %squeeze3A_63, %and3A_66 : i32
    %and3A_68 = arith.constant -128 : i32
    %and3A_69 = arith.andi %squeeze3A_63, %and3A_68 : i32
    %sub3A_70 = arith.subi %and3A_67, %and3A_69 : i32
    %multiple_of3A_71 = tpu.assume_multiple %sub3A_70, 16 : i32
    %get3A_72 = arith.constant 1 : i32
    %get3A_73 = arith.index_cast %get3A_72 : i32 to index
    %get3A_74 = arith.index_cast %multiple_of3A_71 : i32 to index
    %get3A_75 = tpu.vector_load %arg7[%get3A_73, %get3A_74] {strides = array<i32>} : memref<8x128xf32, #tpu.memory_space<vmem>>, vector<1x16xf32>,
    %get3A_76 = vector.shape_cast %get3A_75 : vector<1x16xf32> to vector<16xf32>
    %broadcast_in_dim3A_77 = vector.broadcast %and3A_65 : i32 to vector<16xi32>
    %eq3A_78 = arith.cmpi eq, %iota3A, %broadcast_in_dim3A_77 : vector<16xi32>
    %slice3A_79 = vector.extract_strided_slice %get3A_8 {offsets = [1], sizes = [1], strides = [1]} : vector<16xf32> to vector<1xf32>
    %squeeze3A_80 = vector.extract %slice3A_79[0] : f32 from vector<1xf32>
    %jit3A_81 = arith.constant 0.000000e+00 : f32
    %broadcast_in_dim3A_82 = vector.broadcast %jit3A_81 : f32 to vector<16xf32>
    %select_n3A_83 = arith.select %eq3A_78, %get3A_76, %broadcast_in_dim3A_82 : vector<16xi1>, vector<16xf32>
    %mul3A_84 = vector.broadcast %squeeze3A_80 : f32 to vector<16xf32>
    %mul3A_85 = arith.mulf %mul3A_84, %select_n3A_83 : vector<16xf32>
    %swap3A_86 = arith.constant 1 : i32
    %swap3A_87 = arith.index_cast %swap3A_86 : i32 to index
    %swap3A_88 = arith.constant 0 : index
    %swap3A_89 = tpu.vector_load %arg10[%swap3A_87, %swap3A_88] {strides = array<i32>} : memref<16x16xf32, #tpu.memory_space<vmem>>, vector<1x16xf32>,
    %swap3A_90 = vector.shape_cast %swap3A_89 : vector<1x16xf32> to vector<16xf32>
    %swap3A_91 = vector.shape_cast %mul3A_85 : vector<16xf32> to vector<1x16xf32>
    tpu.vector_store %arg10[%swap3A_87, %swap3A_88], %swap3A_91 {strides = array<i32>} : memref<16x16xf32, #tpu.memory_space<vmem>>, vector<1x16xf32>,
    %add3A_92 = arith.constant 0 : i32
    %add3A_93 = arith.addi %mul3A_2, %add3A_92 : i32
    %multiple_of3A_94 = tpu.assume_multiple %add3A_93, 8 : i32
    %slice3A_95 = vector.extract_strided_slice %get3A_5 {offsets = [3], sizes = [1], strides = [1]} : vector<16xi32> to vector<1xi32>
    %squeeze3A_96 = vector.extract %slice3A_95[0] : i32 from vector<1xi32>
    %and3A_97 = arith.constant -128 : i32
    %and3A_98 = arith.andi %squeeze3A_96, %and3A_97 : i32
    %multiple_of3A_99 = tpu.assume_multiple %and3A_98, 128 : i32
    %dma_start3A_100 = tpu.memref_slice %arg2[%multiple_of3A_94, %multiple_of3A_99] : memref<512x100000xf32, #tpu.memory_space<hbm>> -> memref<8x128xf32, #tpu.memory_space<hbm>>
    %dma_start3A_101 = tpu.memref_slice %arg2[%multiple_of3A_94, %multiple_of3A_99] : memref<512x100000xf32, #tpu.memory_space<hbm>> -> memref<8x128xf32, #tpu.memory_space<hbm>>
    tpu.enqueue_dma source(%dma_start3A_101 : memref<8x128xf32, #tpu.memory_space<hbm>>) target(%arg7 : memref<8x128xf32, #tpu.memory_space<vmem>>) target_semaphore(%arg12 : memref<!tpu.dma_semaphore, #tpu.memory_space<semaphore_mem>>)
    %dma_wait3A_102 = tpu.memref_slice %arg2[%multiple_of3A_52, %multiple_of3A_57] : memref<512x100000xf32, #tpu.memory_space<hbm>> -> memref<8x128xf32, #tpu.memory_space<hbm>>
    %dma_wait3A_103 = tpu.memref_slice %arg2[%multiple_of3A_52, %multiple_of3A_57] : memref<512x100000xf32, #tpu.memory_space<hbm>> -> memref<8x128xf32, #tpu.memory_space<hbm>>
    tpu.wait_dma2 semaphore(%arg11 : memref<!tpu.dma_semaphore, #tpu.memory_space<semaphore_mem>>) src(%dma_wait3A_103 : memref<8x128xf32, #tpu.memory_space<hbm>>) dst(%arg6 : memref<8x128xf32, #tpu.memory_space<vmem>>)
    %slice3A_104 = vector.extract_strided_slice %get3A_5 {offsets = [2], sizes = [1], strides = [1]} : vector<16xi32> to vector<1xi32>
    %squeeze3A_105 = vector.extract %slice3A_104[0] : i32 from vector<1xi32>
    %and3A_106 = arith.constant 15 : i32
    %and3A_107 = arith.andi %squeeze3A_105, %and3A_106 : i32
    %and3A_108 = arith.constant -16 : i32
    %and3A_109 = arith.andi %squeeze3A_105, %and3A_108 : i32
    %and3A_110 = arith.constant -128 : i32
    %and3A_111 = arith.andi %squeeze3A_105, %and3A_110 : i32
    %sub3A_112 = arith.subi %and3A_109, %and3A_111 : i32
    %multiple_of3A_113 = tpu.assume_multiple %sub3A_112, 16 : i32
    %get3A_114 = arith.constant 2 : i32
    %get3A_115 = arith.index_cast %get3A_114 : i32 to index
    %get3A_116 = arith.index_cast %multiple_of3A_113 : i32 to index
    %get3A_117 = tpu.vector_load %arg6[%get3A_115, %get3A_116] {strides = array<i32>} : memref<8x128xf32, #tpu.memory_space<vmem>>, vector<1x16xf32>,
    %get3A_118 = vector.shape_cast %get3A_117 : vector<1x16xf32> to vector<16xf32>
    %broadcast_in_dim3A_119 = vector.broadcast %and3A_107 : i32 to vector<16xi32>
    %eq3A_120 = arith.cmpi eq, %iota3A, %broadcast_in_dim3A_119 : vector<16xi32>
    %slice3A_121 = vector.extract_strided_slice %get3A_8 {offsets = [2], sizes = [1], strides = [1]} : vector<16xf32> to vector<1xf32>
    %squeeze3A_122 = vector.extract %slice3A_121[0] : f32 from vector<1xf32>
    %jit3A_123 = arith.constant 0.000000e+00 : f32
    %broadcast_in_dim3A_124 = vector.broadcast %jit3A_123 : f32 to vector<16xf32>
    %select_n3A_125 = arith.select %eq3A_120, %get3A_118, %broadcast_in_dim3A_124 : vector<16xi1>, vector<16xf32>
    %mul3A_126 = vector.broadcast %squeeze3A_122 : f32 to vector<16xf32>
    %mul3A_127 = arith.mulf %mul3A_126, %select_n3A_125 : vector<16xf32>
    %swap3A_128 = arith.constant 2 : i32
    %swap3A_129 = arith.index_cast %swap3A_128 : i32 to index
    %swap3A_130 = arith.constant 0 : index
    %swap3A_131 = tpu.vector_load %arg10[%swap3A_129, %swap3A_130] {strides = array<i32>} : memref<16x16xf32, #tpu.memory_space<vmem>>, vector<1x16xf32>,
    %swap3A_132 = vector.shape_cast %swap3A_131 : vector<1x16xf32> to vector<16xf32>
    %swap3A_133 = vector.shape_cast %mul3A_127 : vector<16xf32> to vector<1x16xf32>
    tpu.vector_store %arg10[%swap3A_129, %swap3A_130], %swap3A_133 {strides = array<i32>} : memref<16x16xf32, #tpu.memory_space<vmem>>, vector<1x16xf32>,
    %add3A_134 = arith.constant 0 : i32
    %add3A_135 = arith.addi %mul3A_2, %add3A_134 : i32
    %multiple_of3A_136 = tpu.assume_multiple %add3A_135, 8 : i32
    %slice3A_137 = vector.extract_strided_slice %get3A_5 {offsets = [4], sizes = [1], strides = [1]} : vector<16xi32> to vector<1xi32>
    %squeeze3A_138 = vector.extract %slice3A_137[0] : i32 from vector<1xi32>
    %and3A_139 = arith.constant -128 : i32
    %and3A_140 = arith.andi %squeeze3A_138, %and3A_139 : i32
    %multiple_of3A_141 = tpu.assume_multiple %and3A_140, 128 : i32
    %dma_start3A_142 = tpu.memref_slice %arg2[%multiple_of3A_136, %multiple_of3A_141] : memref<512x100000xf32, #tpu.memory_space<hbm>> -> memref<8x128xf32, #tpu.memory_space<hbm>>
    %dma_start3A_143 = tpu.memref_slice %arg2[%multiple_of3A_136, %multiple_of3A_141] : memref<512x100000xf32, #tpu.memory_space<hbm>> -> memref<8x128xf32, #tpu.memory_space<hbm>>
    tpu.enqueue_dma source(%dma_start3A_143 : memref<8x128xf32, #tpu.memory_space<hbm>>) target(%arg6 : memref<8x128xf32, #tpu.memory_space<vmem>>) target_semaphore(%arg11 : memref<!tpu.dma_semaphore, #tpu.memory_space<semaphore_mem>>)
    %dma_wait3A_144 = tpu.memref_slice %arg2[%multiple_of3A_94, %multiple_of3A_99] : memref<512x100000xf32, #tpu.memory_space<hbm>> -> memref<8x128xf32, #tpu.memory_space<hbm>>
    %dma_wait3A_145 = tpu.memref_slice %arg2[%multiple_of3A_94, %multiple_of3A_99] : memref<512x100000xf32, #tpu.memory_space<hbm>> -> memref<8x128xf32, #tpu.memory_space<hbm>>
    tpu.wait_dma2 semaphore(%arg12 : memref<!tpu.dma_semaphore, #tpu.memory_space<semaphore_mem>>) src(%dma_wait3A_145 : memref<8x128xf32, #tpu.memory_space<hbm>>) dst(%arg7 : memref<8x128xf32, #tpu.memory_space<vmem>>)
    %slice3A_146 = vector.extract_strided_slice %get3A_5 {offsets = [3], sizes = [1], strides = [1]} : vector<16xi32> to vector<1xi32>
    %squeeze3A_147 = vector.extract %slice3A_146[0] : i32 from vector<1xi32>
    %and3A_148 = arith.constant 15 : i32
    %and3A_149 = arith.andi %squeeze3A_147, %and3A_148 : i32
    %and3A_150 = arith.constant -16 : i32
    %and3A_151 = arith.andi %squeeze3A_147, %and3A_150 : i32
    %and3A_152 = arith.constant -128 : i32
    %and3A_153 = arith.andi %squeeze3A_147, %and3A_152 : i32
    %sub3A_154 = arith.subi %and3A_151, %and3A_153 : i32
    %multiple_of3A_155 = tpu.assume_multiple %sub3A_154, 16 : i32
    %get3A_156 = arith.constant 3 : i32
    %get3A_157 = arith.index_cast %get3A_156 : i32 to index
    %get3A_158 = arith.index_cast %multiple_of3A_155 : i32 to index
    %get3A_159 = tpu.vector_load %arg7[%get3A_157, %get3A_158] {strides = array<i32>} : memref<8x128xf32, #tpu.memory_space<vmem>>, vector<1x16xf32>,
    %get3A_160 = vector.shape_cast %get3A_159 : vector<1x16xf32> to vector<16xf32>
    %broadcast_in_dim3A_161 = vector.broadcast %and3A_149 : i32 to vector<16xi32>
    %eq3A_162 = arith.cmpi eq, %iota3A, %broadcast_in_dim3A_161 : vector<16xi32>
    %slice3A_163 = vector.extract_strided_slice %get3A_8 {offsets = [3], sizes = [1], strides = [1]} : vector<16xf32> to vector<1xf32>
    %squeeze3A_164 = vector.extract %slice3A_163[0] : f32 from vector<1xf32>
    %jit3A_165 = arith.constant 0.000000e+00 : f32
    %broadcast_in_dim3A_166 = vector.broadcast %jit3A_165 : f32 to vector<16xf32>
    %select_n3A_167 = arith.select %eq3A_162, %get3A_160, %broadcast_in_dim3A_166 : vector<16xi1>, vector<16xf32>
    %mul3A_168 = vector.broadcast %squeeze3A_164 : f32 to vector<16xf32>
    %mul3A_169 = arith.mulf %mul3A_168, %select_n3A_167 : vector<16xf32>
    %swap3A_170 = arith.constant 3 : i32
    %swap3A_171 = arith.index_cast %swap3A_170 : i32 to index
    %swap3A_172 = arith.constant 0 : index
    %swap3A_173 = tpu.vector_load %arg10[%swap3A_171, %swap3A_172] {strides = array<i32>} : memref<16x16xf32, #tpu.memory_space<vmem>>, vector<1x16xf32>,
    %swap3A_174 = vector.shape_cast %swap3A_173 : vector<1x16xf32> to vector<16xf32>
    %swap3A_175 = vector.shape_cast %mul3A_169 : vector<16xf32> to vector<1x16xf32>
    tpu.vector_store %arg10[%swap3A_171, %swap3A_172], %swap3A_175 {strides = array<i32>} : memref<16x16xf32, #tpu.memory_space<vmem>>, vector<1x16xf32>,
    %add3A_176 = arith.constant 0 : i32
    %add3A_177 = arith.addi %mul3A_2, %add3A_176 : i32
    %multiple_of3A_178 = tpu.assume_multiple %add3A_177, 8 : i32
    %slice3A_179 = vector.extract_strided_slice %get3A_5 {offsets = [5], sizes = [1], strides = [1]} : vector<16xi32> to vector<1xi32>
    %squeeze3A_180 = vector.extract %slice3A_179[0] : i32 from vector<1xi32>
    %and3A_181 = arith.constant -128 : i32
    %and3A_182 = arith.andi %squeeze3A_180, %and3A_181 : i32
    %multiple_of3A_183 = tpu.assume_multiple %and3A_182, 128 : i32
    %dma_start3A_184 = tpu.memref_slice %arg2[%multiple_of3A_178, %multiple_of3A_183] : memref<512x100000xf32, #tpu.memory_space<hbm>> -> memref<8x128xf32, #tpu.memory_space<hbm>>
    %dma_start3A_185 = tpu.memref_slice %arg2[%multiple_of3A_178, %multiple_of3A_183] : memref<512x100000xf32, #tpu.memory_space<hbm>> -> memref<8x128xf32, #tpu.memory_space<hbm>>
    tpu.enqueue_dma source(%dma_start3A_185 : memref<8x128xf32, #tpu.memory_space<hbm>>) target(%arg7 : memref<8x128xf32, #tpu.memory_space<vmem>>) target_semaphore(%arg12 : memref<!tpu.dma_semaphore, #tpu.memory_space<semaphore_mem>>)
    %dma_wait3A_186 = tpu.memref_slice %arg2[%multiple_of3A_136, %multiple_of3A_141] : memref<512x100000xf32, #tpu.memory_space<hbm>> -> memref<8x128xf32, #tpu.memory_space<hbm>>
    %dma_wait3A_187 = tpu.memref_slice %arg2[%multiple_of3A_136, %multiple_of3A_141] : memref<512x100000xf32, #tpu.memory_space<hbm>> -> memref<8x128xf32, #tpu.memory_space<hbm>>
    tpu.wait_dma2 semaphore(%arg11 : memref<!tpu.dma_semaphore, #tpu.memory_space<semaphore_mem>>) src(%dma_wait3A_187 : memref<8x128xf32, #tpu.memory_space<hbm>>) dst(%arg6 : memref<8x128xf32, #tpu.memory_space<vmem>>)
    %slice3A_188 = vector.extract_strided_slice %get3A_5 {offsets = [4], sizes = [1], strides = [1]} : vector<16xi32> to vector<1xi32>
    %squeeze3A_189 = vector.extract %slice3A_188[0] : i32 from vector<1xi32>
    %and3A_190 = arith.constant 15 : i32
    %and3A_191 = arith.andi %squeeze3A_189, %and3A_190 : i32
    %and3A_192 = arith.constant -16 : i32
    %and3A_193 = arith.andi %squeeze3A_189, %and3A_192 : i32
    %and3A_194 = arith.constant -128 : i32
    %and3A_195 = arith.andi %squeeze3A_189, %and3A_194 : i32
    %sub3A_196 = arith.subi %and3A_193, %and3A_195 : i32
    %multiple_of3A_197 = tpu.assume_multiple %sub3A_196, 16 : i32
    %get3A_198 = arith.constant 4 : i32
    %get3A_199 = arith.index_cast %get3A_198 : i32 to index
    %get3A_200 = arith.index_cast %multiple_of3A_197 : i32 to index
    %get3A_201 = tpu.vector_load %arg6[%get3A_199, %get3A_200] {strides = array<i32>} : memref<8x128xf32, #tpu.memory_space<vmem>>, vector<1x16xf32>,
    %get3A_202 = vector.shape_cast %get3A_201 : vector<1x16xf32> to vector<16xf32>
    %broadcast_in_dim3A_203 = vector.broadcast %and3A_191 : i32 to vector<16xi32>
    %eq3A_204 = arith.cmpi eq, %iota3A, %broadcast_in_dim3A_203 : vector<16xi32>
    %slice3A_205 = vector.extract_strided_slice %get3A_8 {offsets = [4], sizes = [1], strides = [1]} : vector<16xf32> to vector<1xf32>
    %squeeze3A_206 = vector.extract %slice3A_205[0] : f32 from vector<1xf32>
    %jit3A_207 = arith.constant 0.000000e+00 : f32
    %broadcast_in_dim3A_208 = vector.broadcast %jit3A_207 : f32 to vector<16xf32>
    %select_n3A_209 = arith.select %eq3A_204, %get3A_202, %broadcast_in_dim3A_208 : vector<16xi1>, vector<16xf32>
    %mul3A_210 = vector.broadcast %squeeze3A_206 : f32 to vector<16xf32>
    %mul3A_211 = arith.mulf %mul3A_210, %select_n3A_209 : vector<16xf32>
    %swap3A_212 = arith.constant 4 : i32
    %swap3A_213 = arith.index_cast %swap3A_212 : i32 to index
    %swap3A_214 = arith.constant 0 : index
    %swap3A_215 = tpu.vector_load %arg10[%swap3A_213, %swap3A_214] {strides = array<i32>} : memref<16x16xf32, #tpu.memory_space<vmem>>, vector<1x16xf32>,
    %swap3A_216 = vector.shape_cast %swap3A_215 : vector<1x16xf32> to vector<16xf32>
    %swap3A_217 = vector.shape_cast %mul3A_211 : vector<16xf32> to vector<1x16xf32>
    tpu.vector_store %arg10[%swap3A_213, %swap3A_214], %swap3A_217 {strides = array<i32>} : memref<16x16xf32, #tpu.memory_space<vmem>>, vector<1x16xf32>,
    %add3A_218 = arith.constant 0 : i32
    %add3A_219 = arith.addi %mul3A_2, %add3A_218 : i32
    %multiple_of3A_220 = tpu.assume_multiple %add3A_219, 8 : i32
    %slice3A_221 = vector.extract_strided_slice %get3A_5 {offsets = [6], sizes = [1], strides = [1]} : vector<16xi32> to vector<1xi32>
    %squeeze3A_222 = vector.extract %slice3A_221[0] : i32 from vector<1xi32>
    %and3A_223 = arith.constant -128 : i32
    %and3A_224 = arith.andi %squeeze3A_222, %and3A_223 : i32
    %multiple_of3A_225 = tpu.assume_multiple %and3A_224, 128 : i32
    %dma_start3A_226 = tpu.memref_slice %arg2[%multiple_of3A_220, %multiple_of3A_225] : memref<512x100000xf32, #tpu.memory_space<hbm>> -> memref<8x128xf32, #tpu.memory_space<hbm>>
    %dma_start3A_227 = tpu.memref_slice %arg2[%multiple_of3A_220, %multiple_of3A_225] : memref<512x100000xf32, #tpu.memory_space<hbm>> -> memref<8x128xf32, #tpu.memory_space<hbm>>
    tpu.enqueue_dma source(%dma_start3A_227 : memref<8x128xf32, #tpu.memory_space<hbm>>) target(%arg6 : memref<8x128xf32, #tpu.memory_space<vmem>>) target_semaphore(%arg11 : memref<!tpu.dma_semaphore, #tpu.memory_space<semaphore_mem>>)
    %dma_wait3A_228 = tpu.memref_slice %arg2[%multiple_of3A_178, %multiple_of3A_183] : memref<512x100000xf32, #tpu.memory_space<hbm>> -> memref<8x128xf32, #tpu.memory_space<hbm>>
    %dma_wait3A_229 = tpu.memref_slice %arg2[%multiple_of3A_178, %multiple_of3A_183] : memref<512x100000xf32, #tpu.memory_space<hbm>> -> memref<8x128xf32, #tpu.memory_space<hbm>>
    tpu.wait_dma2 semaphore(%arg12 : memref<!tpu.dma_semaphore, #tpu.memory_space<semaphore_mem>>) src(%dma_wait3A_229 : memref<8x128xf32, #tpu.memory_space<hbm>>) dst(%arg7 : memref<8x128xf32, #tpu.memory_space<vmem>>)
    %slice3A_230 = vector.extract_strided_slice %get3A_5 {offsets = [5], sizes = [1], strides = [1]} : vector<16xi32> to vector<1xi32>
    %squeeze3A_231 = vector.extract %slice3A_230[0] : i32 from vector<1xi32>
    %and3A_232 = arith.constant 15 : i32
    %and3A_233 = arith.andi %squeeze3A_231, %and3A_232 : i32
    %and3A_234 = arith.constant -16 : i32
    %and3A_235 = arith.andi %squeeze3A_231, %and3A_234 : i32
    %and3A_236 = arith.constant -128 : i32
    %and3A_237 = arith.andi %squeeze3A_231, %and3A_236 : i32
    %sub3A_238 = arith.subi %and3A_235, %and3A_237 : i32
    %multiple_of3A_239 = tpu.assume_multiple %sub3A_238, 16 : i32
    %get3A_240 = arith.constant 5 : i32
    %get3A_241 = arith.index_cast %get3A_240 : i32 to index
    %get3A_242 = arith.index_cast %multiple_of3A_239 : i32 to index
    %get3A_243 = tpu.vector_load %arg7[%get3A_241, %get3A_242] {strides = array<i32>} : memref<8x128xf32, #tpu.memory_space<vmem>>, vector<1x16xf32>,
    %get3A_244 = vector.shape_cast %get3A_243 : vector<1x16xf32> to vector<16xf32>
    %broadcast_in_dim3A_245 = vector.broadcast %and3A_233 : i32 to vector<16xi32>
    %eq3A_246 = arith.cmpi eq, %iota3A, %broadcast_in_dim3A_245 : vector<16xi32>
    %slice3A_247 = vector.extract_strided_slice %get3A_8 {offsets = [5], sizes = [1], strides = [1]} : vector<16xf32> to vector<1xf32>
    %squeeze3A_248 = vector.extract %slice3A_247[0] : f32 from vector<1xf32>
    %jit3A_249 = arith.constant 0.000000e+00 : f32
    %broadcast_in_dim3A_250 = vector.broadcast %jit3A_249 : f32 to vector<16xf32>
    %select_n3A_251 = arith.select %eq3A_246, %get3A_244, %broadcast_in_dim3A_250 : vector<16xi1>, vector<16xf32>
    %mul3A_252 = vector.broadcast %squeeze3A_248 : f32 to vector<16xf32>
    %mul3A_253 = arith.mulf %mul3A_252, %select_n3A_251 : vector<16xf32>
    %swap3A_254 = arith.constant 5 : i32
    %swap3A_255 = arith.index_cast %swap3A_254 : i32 to index
    %swap3A_256 = arith.constant 0 : index
    %swap3A_257 = tpu.vector_load %arg10[%swap3A_255, %swap3A_256] {strides = array<i32>} : memref<16x16xf32, #tpu.memory_space<vmem>>, vector<1x16xf32>,
    %swap3A_258 = vector.shape_cast %swap3A_257 : vector<1x16xf32> to vector<16xf32>
    %swap3A_259 = vector.shape_cast %mul3A_253 : vector<16xf32> to vector<1x16xf32>
    tpu.vector_store %arg10[%swap3A_255, %swap3A_256], %swap3A_259 {strides = array<i32>} : memref<16x16xf32, #tpu.memory_space<vmem>>, vector<1x16xf32>,
    %add3A_260 = arith.constant 0 : i32
    %add3A_261 = arith.addi %mul3A_2, %add3A_260 : i32
    %multiple_of3A_262 = tpu.assume_multiple %add3A_261, 8 : i32
    %slice3A_263 = vector.extract_strided_slice %get3A_5 {offsets = [7], sizes = [1], strides = [1]} : vector<16xi32> to vector<1xi32>
    %squeeze3A_264 = vector.extract %slice3A_263[0] : i32 from vector<1xi32>
    %and3A_265 = arith.constant -128 : i32
    %and3A_266 = arith.andi %squeeze3A_264, %and3A_265 : i32
    %multiple_of3A_267 = tpu.assume_multiple %and3A_266, 128 : i32
    %dma_start3A_268 = tpu.memref_slice %arg2[%multiple_of3A_262, %multiple_of3A_267] : memref<512x100000xf32, #tpu.memory_space<hbm>> -> memref<8x128xf32, #tpu.memory_space<hbm>>
    %dma_start3A_269 = tpu.memref_slice %arg2[%multiple_of3A_262, %multiple_of3A_267] : memref<512x100000xf32, #tpu.memory_space<hbm>> -> memref<8x128xf32, #tpu.memory_space<hbm>>
    tpu.enqueue_dma source(%dma_start3A_269 : memref<8x128xf32, #tpu.memory_space<hbm>>) target(%arg7 : memref<8x128xf32, #tpu.memory_space<vmem>>) target_semaphore(%arg12 : memref<!tpu.dma_semaphore, #tpu.memory_space<semaphore_mem>>)
    %dma_wait3A_270 = tpu.memref_slice %arg2[%multiple_of3A_220, %multiple_of3A_225] : memref<512x100000xf32, #tpu.memory_space<hbm>> -> memref<8x128xf32, #tpu.memory_space<hbm>>
    %dma_wait3A_271 = tpu.memref_slice %arg2[%multiple_of3A_220, %multiple_of3A_225] : memref<512x100000xf32, #tpu.memory_space<hbm>> -> memref<8x128xf32, #tpu.memory_space<hbm>>
    tpu.wait_dma2 semaphore(%arg11 : memref<!tpu.dma_semaphore, #tpu.memory_space<semaphore_mem>>) src(%dma_wait3A_271 : memref<8x128xf32, #tpu.memory_space<hbm>>) dst(%arg6 : memref<8x128xf32, #tpu.memory_space<vmem>>)
    %slice3A_272 = vector.extract_strided_slice %get3A_5 {offsets = [6], sizes = [1], strides = [1]} : vector<16xi32> to vector<1xi32>
    %squeeze3A_273 = vector.extract %slice3A_272[0] : i32 from vector<1xi32>
    %and3A_274 = arith.constant 15 : i32
    %and3A_275 = arith.andi %squeeze3A_273, %and3A_274 : i32
    %and3A_276 = arith.constant -16 : i32
    %and3A_277 = arith.andi %squeeze3A_273, %and3A_276 : i32
    %and3A_278 = arith.constant -128 : i32
    %and3A_279 = arith.andi %squeeze3A_273, %and3A_278 : i32
    %sub3A_280 = arith.subi %and3A_277, %and3A_279 : i32
    %multiple_of3A_281 = tpu.assume_multiple %sub3A_280, 16 : i32
    %get3A_282 = arith.constant 6 : i32
    %get3A_283 = arith.index_cast %get3A_282 : i32 to index
    %get3A_284 = arith.index_cast %multiple_of3A_281 : i32 to index
    %get3A_285 = tpu.vector_load %arg6[%get3A_283, %get3A_284] {strides = array<i32>} : memref<8x128xf32, #tpu.memory_space<vmem>>, vector<1x16xf32>,
    %get3A_286 = vector.shape_cast %get3A_285 : vector<1x16xf32> to vector<16xf32>
    %broadcast_in_dim3A_287 = vector.broadcast %and3A_275 : i32 to vector<16xi32>
    %eq3A_288 = arith.cmpi eq, %iota3A, %broadcast_in_dim3A_287 : vector<16xi32>
    %slice3A_289 = vector.extract_strided_slice %get3A_8 {offsets = [6], sizes = [1], strides = [1]} : vector<16xf32> to vector<1xf32>
    %squeeze3A_290 = vector.extract %slice3A_289[0] : f32 from vector<1xf32>
    %jit3A_291 = arith.constant 0.000000e+00 : f32
    %broadcast_in_dim3A_292 = vector.broadcast %jit3A_291 : f32 to vector<16xf32>
    %select_n3A_293 = arith.select %eq3A_288, %get3A_286, %broadcast_in_dim3A_292 : vector<16xi1>, vector<16xf32>
    %mul3A_294 = vector.broadcast %squeeze3A_290 : f32 to vector<16xf32>
    %mul3A_295 = arith.mulf %mul3A_294, %select_n3A_293 : vector<16xf32>
    %swap3A_296 = arith.constant 6 : i32
    %swap3A_297 = arith.index_cast %swap3A_296 : i32 to index
    %swap3A_298 = arith.constant 0 : index
    %swap3A_299 = tpu.vector_load %arg10[%swap3A_297, %swap3A_298] {strides = array<i32>} : memref<16x16xf32, #tpu.memory_space<vmem>>, vector<1x16xf32>,
    %swap3A_300 = vector.shape_cast %swap3A_299 : vector<1x16xf32> to vector<16xf32>
    %swap3A_301 = vector.shape_cast %mul3A_295 : vector<16xf32> to vector<1x16xf32>
    tpu.vector_store %arg10[%swap3A_297, %swap3A_298], %swap3A_301 {strides = array<i32>} : memref<16x16xf32, #tpu.memory_space<vmem>>, vector<1x16xf32>,
    %add3A_302 = arith.constant 8 : i32
    %add3A_303 = arith.addi %mul3A_2, %add3A_302 : i32
    %multiple_of3A_304 = tpu.assume_multiple %add3A_303, 8 : i32
    %slice3A_305 = vector.extract_strided_slice %get3A_5 {offsets = [8], sizes = [1], strides = [1]} : vector<16xi32> to vector<1xi32>
    %squeeze3A_306 = vector.extract %slice3A_305[0] : i32 from vector<1xi32>
    %and3A_307 = arith.constant -128 : i32
    %and3A_308 = arith.andi %squeeze3A_306, %and3A_307 : i32
    %multiple_of3A_309 = tpu.assume_multiple %and3A_308, 128 : i32
    %dma_start3A_310 = tpu.memref_slice %arg2[%multiple_of3A_304, %multiple_of3A_309] : memref<512x100000xf32, #tpu.memory_space<hbm>> -> memref<8x128xf32, #tpu.memory_space<hbm>>
    %dma_start3A_311 = tpu.memref_slice %arg2[%multiple_of3A_304, %multiple_of3A_309] : memref<512x100000xf32, #tpu.memory_space<hbm>> -> memref<8x128xf32, #tpu.memory_space<hbm>>
    tpu.enqueue_dma source(%dma_start3A_311 : memref<8x128xf32, #tpu.memory_space<hbm>>) target(%arg6 : memref<8x128xf32, #tpu.memory_space<vmem>>) target_semaphore(%arg11 : memref<!tpu.dma_semaphore, #tpu.memory_space<semaphore_mem>>)
    %dma_wait3A_312 = tpu.memref_slice %arg2[%multiple_of3A_262, %multiple_of3A_267] : memref<512x100000xf32, #tpu.memory_space<hbm>> -> memref<8x128xf32, #tpu.memory_space<hbm>>
    %dma_wait3A_313 = tpu.memref_slice %arg2[%multiple_of3A_262, %multiple_of3A_267] : memref<512x100000xf32, #tpu.memory_space<hbm>> -> memref<8x128xf32, #tpu.memory_space<hbm>>
    tpu.wait_dma2 semaphore(%arg12 : memref<!tpu.dma_semaphore, #tpu.memory_space<semaphore_mem>>) src(%dma_wait3A_313 : memref<8x128xf32, #tpu.memory_space<hbm>>) dst(%arg7 : memref<8x128xf32, #tpu.memory_space<vmem>>)
    %slice3A_314 = vector.extract_strided_slice %get3A_5 {offsets = [7], sizes = [1], strides = [1]} : vector<16xi32> to vector<1xi32>
    %squeeze3A_315 = vector.extract %slice3A_314[0] : i32 from vector<1xi32>
    %and3A_316 = arith.constant 15 : i32
    %and3A_317 = arith.andi %squeeze3A_315, %and3A_316 : i32
    %and3A_318 = arith.constant -16 : i32
    %and3A_319 = arith.andi %squeeze3A_315, %and3A_318 : i32
    %and3A_320 = arith.constant -128 : i32
    %and3A_321 = arith.andi %squeeze3A_315, %and3A_320 : i32
    %sub3A_322 = arith.subi %and3A_319, %and3A_321 : i32
    %multiple_of3A_323 = tpu.assume_multiple %sub3A_322, 16 : i32
    %get3A_324 = arith.constant 7 : i32
    %get3A_325 = arith.index_cast %get3A_324 : i32 to index
    %get3A_326 = arith.index_cast %multiple_of3A_323 : i32 to index
    %get3A_327 = tpu.vector_load %arg7[%get3A_325, %get3A_326] {strides = array<i32>} : memref<8x128xf32, #tpu.memory_space<vmem>>, vector<1x16xf32>,
    %get3A_328 = vector.shape_cast %get3A_327 : vector<1x16xf32> to vector<16xf32>
    %broadcast_in_dim3A_329 = vector.broadcast %and3A_317 : i32 to vector<16xi32>
    %eq3A_330 = arith.cmpi eq, %iota3A, %broadcast_in_dim3A_329 : vector<16xi32>
    %slice3A_331 = vector.extract_strided_slice %get3A_8 {offsets = [7], sizes = [1], strides = [1]} : vector<16xf32> to vector<1xf32>
    %squeeze3A_332 = vector.extract %slice3A_331[0] : f32 from vector<1xf32>
    %jit3A_333 = arith.constant 0.000000e+00 : f32
    %broadcast_in_dim3A_334 = vector.broadcast %jit3A_333 : f32 to vector<16xf32>
    %select_n3A_335 = arith.select %eq3A_330, %get3A_328, %broadcast_in_dim3A_334 : vector<16xi1>, vector<16xf32>
    %mul3A_336 = vector.broadcast %squeeze3A_332 : f32 to vector<16xf32>
    %mul3A_337 = arith.mulf %mul3A_336, %select_n3A_335 : vector<16xf32>
    %swap3A_338 = arith.constant 7 : i32
    %swap3A_339 = arith.index_cast %swap3A_338 : i32 to index
    %swap3A_340 = arith.constant 0 : index
    %swap3A_341 = tpu.vector_load %arg10[%swap3A_339, %swap3A_340] {strides = array<i32>} : memref<16x16xf32, #tpu.memory_space<vmem>>, vector<1x16xf32>,
    %swap3A_342 = vector.shape_cast %swap3A_341 : vector<1x16xf32> to vector<16xf32>
    %swap3A_343 = vector.shape_cast %mul3A_337 : vector<16xf32> to vector<1x16xf32>
    tpu.vector_store %arg10[%swap3A_339, %swap3A_340], %swap3A_343 {strides = array<i32>} : memref<16x16xf32, #tpu.memory_space<vmem>>, vector<1x16xf32>,
    %add3A_344 = arith.constant 8 : i32
    %add3A_345 = arith.addi %mul3A_2, %add3A_344 : i32
    %multiple_of3A_346 = tpu.assume_multiple %add3A_345, 8 : i32
    %slice3A_347 = vector.extract_strided_slice %get3A_5 {offsets = [9], sizes = [1], strides = [1]} : vector<16xi32> to vector<1xi32>
    %squeeze3A_348 = vector.extract %slice3A_347[0] : i32 from vector<1xi32>
    %and3A_349 = arith.constant -128 : i32
    %and3A_350 = arith.andi %squeeze3A_348, %and3A_349 : i32
    %multiple_of3A_351 = tpu.assume_multiple %and3A_350, 128 : i32
    %dma_start3A_352 = tpu.memref_slice %arg2[%multiple_of3A_346, %multiple_of3A_351] : memref<512x100000xf32, #tpu.memory_space<hbm>> -> memref<8x128xf32, #tpu.memory_space<hbm>>
    %dma_start3A_353 = tpu.memref_slice %arg2[%multiple_of3A_346, %multiple_of3A_351] : memref<512x100000xf32, #tpu.memory_space<hbm>> -> memref<8x128xf32, #tpu.memory_space<hbm>>
    tpu.enqueue_dma source(%dma_start3A_353 : memref<8x128xf32, #tpu.memory_space<hbm>>) target(%arg7 : memref<8x128xf32, #tpu.memory_space<vmem>>) target_semaphore(%arg12 : memref<!tpu.dma_semaphore, #tpu.memory_space<semaphore_mem>>)
    %dma_wait3A_354 = tpu.memref_slice %arg2[%multiple_of3A_304, %multiple_of3A_309] : memref<512x100000xf32, #tpu.memory_space<hbm>> -> memref<8x128xf32, #tpu.memory_space<hbm>>
    %dma_wait3A_355 = tpu.memref_slice %arg2[%multiple_of3A_304, %multiple_of3A_309] : memref<512x100000xf32, #tpu.memory_space<hbm>> -> memref<8x128xf32, #tpu.memory_space<hbm>>
    tpu.wait_dma2 semaphore(%arg11 : memref<!tpu.dma_semaphore, #tpu.memory_space<semaphore_mem>>) src(%dma_wait3A_355 : memref<8x128xf32, #tpu.memory_space<hbm>>) dst(%arg6 : memref<8x128xf32, #tpu.memory_space<vmem>>)
    %slice3A_356 = vector.extract_strided_slice %get3A_5 {offsets = [8], sizes = [1], strides = [1]} : vector<16xi32> to vector<1xi32>
    %squeeze3A_357 = vector.extract %slice3A_356[0] : i32 from vector<1xi32>
    %and3A_358 = arith.constant 15 : i32
    %and3A_359 = arith.andi %squeeze3A_357, %and3A_358 : i32
    %and3A_360 = arith.constant -16 : i32
    %and3A_361 = arith.andi %squeeze3A_357, %and3A_360 : i32
    %and3A_362 = arith.constant -128 : i32
    %and3A_363 = arith.andi %squeeze3A_357, %and3A_362 : i32
    %sub3A_364 = arith.subi %and3A_361, %and3A_363 : i32
    %multiple_of3A_365 = tpu.assume_multiple %sub3A_364, 16 : i32
    %get3A_366 = arith.constant 0 : i32
    %get3A_367 = arith.index_cast %get3A_366 : i32 to index
    %get3A_368 = arith.index_cast %multiple_of3A_365 : i32 to index
    %get3A_369 = tpu.vector_load %arg6[%get3A_367, %get3A_368] {strides = array<i32>} : memref<8x128xf32, #tpu.memory_space<vmem>>, vector<1x16xf32>,
    %get3A_370 = vector.shape_cast %get3A_369 : vector<1x16xf32> to vector<16xf32>
    %broadcast_in_dim3A_371 = vector.broadcast %and3A_359 : i32 to vector<16xi32>
    %eq3A_372 = arith.cmpi eq, %iota3A, %broadcast_in_dim3A_371 : vector<16xi32>
    %slice3A_373 = vector.extract_strided_slice %get3A_8 {offsets = [8], sizes = [1], strides = [1]} : vector<16xf32> to vector<1xf32>
    %squeeze3A_374 = vector.extract %slice3A_373[0] : f32 from vector<1xf32>
    %jit3A_375 = arith.constant 0.000000e+00 : f32
    %broadcast_in_dim3A_376 = vector.broadcast %jit3A_375 : f32 to vector<16xf32>
    %select_n3A_377 = arith.select %eq3A_372, %get3A_370, %broadcast_in_dim3A_376 : vector<16xi1>, vector<16xf32>
    %mul3A_378 = vector.broadcast %squeeze3A_374 : f32 to vector<16xf32>
    %mul3A_379 = arith.mulf %mul3A_378, %select_n3A_377 : vector<16xf32>
    %swap3A_380 = arith.constant 8 : i32
    %swap3A_381 = arith.index_cast %swap3A_380 : i32 to index
    %swap3A_382 = arith.constant 0 : index
    %swap3A_383 = tpu.vector_load %arg10[%swap3A_381, %swap3A_382] {strides = array<i32>} : memref<16x16xf32, #tpu.memory_space<vmem>>, vector<1x16xf32>,
    %swap3A_384 = vector.shape_cast %swap3A_383 : vector<1x16xf32> to vector<16xf32>
    %swap3A_385 = vector.shape_cast %mul3A_379 : vector<16xf32> to vector<1x16xf32>
    tpu.vector_store %arg10[%swap3A_381, %swap3A_382], %swap3A_385 {strides = array<i32>} : memref<16x16xf32, #tpu.memory_space<vmem>>, vector<1x16xf32>,
    %add3A_386 = arith.constant 8 : i32
    %add3A_387 = arith.addi %mul3A_2, %add3A_386 : i32
    %multiple_of3A_388 = tpu.assume_multiple %add3A_387, 8 : i32
    %slice3A_389 = vector.extract_strided_slice %get3A_5 {offsets = [10], sizes = [1], strides = [1]} : vector<16xi32> to vector<1xi32>
    %squeeze3A_390 = vector.extract %slice3A_389[0] : i32 from vector<1xi32>
    %and3A_391 = arith.constant -128 : i32
    %and3A_392 = arith.andi %squeeze3A_390, %and3A_391 : i32
    %multiple_of3A_393 = tpu.assume_multiple %and3A_392, 128 : i32
    %dma_start3A_394 = tpu.memref_slice %arg2[%multiple_of3A_388, %multiple_of3A_393] : memref<512x100000xf32, #tpu.memory_space<hbm>> -> memref<8x128xf32, #tpu.memory_space<hbm>>
    %dma_start3A_395 = tpu.memref_slice %arg2[%multiple_of3A_388, %multiple_of3A_393] : memref<512x100000xf32, #tpu.memory_space<hbm>> -> memref<8x128xf32, #tpu.memory_space<hbm>>
    tpu.enqueue_dma source(%dma_start3A_395 : memref<8x128xf32, #tpu.memory_space<hbm>>) target(%arg6 : memref<8x128xf32, #tpu.memory_space<vmem>>) target_semaphore(%arg11 : memref<!tpu.dma_semaphore, #tpu.memory_space<semaphore_mem>>)
    %dma_wait3A_396 = tpu.memref_slice %arg2[%multiple_of3A_346, %multiple_of3A_351] : memref<512x100000xf32, #tpu.memory_space<hbm>> -> memref<8x128xf32, #tpu.memory_space<hbm>>
    %dma_wait3A_397 = tpu.memref_slice %arg2[%multiple_of3A_346, %multiple_of3A_351] : memref<512x100000xf32, #tpu.memory_space<hbm>> -> memref<8x128xf32, #tpu.memory_space<hbm>>
    tpu.wait_dma2 semaphore(%arg12 : memref<!tpu.dma_semaphore, #tpu.memory_space<semaphore_mem>>) src(%dma_wait3A_397 : memref<8x128xf32, #tpu.memory_space<hbm>>) dst(%arg7 : memref<8x128xf32, #tpu.memory_space<vmem>>)
    %slice3A_398 = vector.extract_strided_slice %get3A_5 {offsets = [9], sizes = [1], strides = [1]} : vector<16xi32> to vector<1xi32>
    %squeeze3A_399 = vector.extract %slice3A_398[0] : i32 from vector<1xi32>
    %and3A_400 = arith.constant 15 : i32
    %and3A_401 = arith.andi %squeeze3A_399, %and3A_400 : i32
    %and3A_402 = arith.constant -16 : i32
    %and3A_403 = arith.andi %squeeze3A_399, %and3A_402 : i32
    %and3A_404 = arith.constant -128 : i32
    %and3A_405 = arith.andi %squeeze3A_399, %and3A_404 : i32
    %sub3A_406 = arith.subi %and3A_403, %and3A_405 : i32
    %multiple_of3A_407 = tpu.assume_multiple %sub3A_406, 16 : i32
    %get3A_408 = arith.constant 1 : i32
    %get3A_409 = arith.index_cast %get3A_408 : i32 to index
    %get3A_410 = arith.index_cast %multiple_of3A_407 : i32 to index
    %get3A_411 = tpu.vector_load %arg7[%get3A_409, %get3A_410] {strides = array<i32>} : memref<8x128xf32, #tpu.memory_space<vmem>>, vector<1x16xf32>,
    %get3A_412 = vector.shape_cast %get3A_411 : vector<1x16xf32> to vector<16xf32>
    %broadcast_in_dim3A_413 = vector.broadcast %and3A_401 : i32 to vector<16xi32>
    %eq3A_414 = arith.cmpi eq, %iota3A, %broadcast_in_dim3A_413 : vector<16xi32>
    %slice3A_415 = vector.extract_strided_slice %get3A_8 {offsets = [9], sizes = [1], strides = [1]} : vector<16xf32> to vector<1xf32>
    %squeeze3A_416 = vector.extract %slice3A_415[0] : f32 from vector<1xf32>
    %jit3A_417 = arith.constant 0.000000e+00 : f32
    %broadcast_in_dim3A_418 = vector.broadcast %jit3A_417 : f32 to vector<16xf32>
    %select_n3A_419 = arith.select %eq3A_414, %get3A_412, %broadcast_in_dim3A_418 : vector<16xi1>, vector<16xf32>
    %mul3A_420 = vector.broadcast %squeeze3A_416 : f32 to vector<16xf32>
    %mul3A_421 = arith.mulf %mul3A_420, %select_n3A_419 : vector<16xf32>
    %swap3A_422 = arith.constant 9 : i32
    %swap3A_423 = arith.index_cast %swap3A_422 : i32 to index
    %swap3A_424 = arith.constant 0 : index
    %swap3A_425 = tpu.vector_load %arg10[%swap3A_423, %swap3A_424] {strides = array<i32>} : memref<16x16xf32, #tpu.memory_space<vmem>>, vector<1x16xf32>,
    %swap3A_426 = vector.shape_cast %swap3A_425 : vector<1x16xf32> to vector<16xf32>
    %swap3A_427 = vector.shape_cast %mul3A_421 : vector<16xf32> to vector<1x16xf32>
    tpu.vector_store %arg10[%swap3A_423, %swap3A_424], %swap3A_427 {strides = array<i32>} : memref<16x16xf32, #tpu.memory_space<vmem>>, vector<1x16xf32>,
    %add3A_428 = arith.constant 8 : i32
    %add3A_429 = arith.addi %mul3A_2, %add3A_428 : i32
    %multiple_of3A_430 = tpu.assume_multiple %add3A_429, 8 : i32
    %slice3A_431 = vector.extract_strided_slice %get3A_5 {offsets = [11], sizes = [1], strides = [1]} : vector<16xi32> to vector<1xi32>
    %squeeze3A_432 = vector.extract %slice3A_431[0] : i32 from vector<1xi32>
    %and3A_433 = arith.constant -128 : i32
    %and3A_434 = arith.andi %squeeze3A_432, %and3A_433 : i32
    %multiple_of3A_435 = tpu.assume_multiple %and3A_434, 128 : i32
    %dma_start3A_436 = tpu.memref_slice %arg2[%multiple_of3A_430, %multiple_of3A_435] : memref<512x100000xf32, #tpu.memory_space<hbm>> -> memref<8x128xf32, #tpu.memory_space<hbm>>
    %dma_start3A_437 = tpu.memref_slice %arg2[%multiple_of3A_430, %multiple_of3A_435] : memref<512x100000xf32, #tpu.memory_space<hbm>> -> memref<8x128xf32, #tpu.memory_space<hbm>>
    tpu.enqueue_dma source(%dma_start3A_437 : memref<8x128xf32, #tpu.memory_space<hbm>>) target(%arg7 : memref<8x128xf32, #tpu.memory_space<vmem>>) target_semaphore(%arg12 : memref<!tpu.dma_semaphore, #tpu.memory_space<semaphore_mem>>)
    %dma_wait3A_438 = tpu.memref_slice %arg2[%multiple_of3A_388, %multiple_of3A_393] : memref<512x100000xf32, #tpu.memory_space<hbm>> -> memref<8x128xf32, #tpu.memory_space<hbm>>
    %dma_wait3A_439 = tpu.memref_slice %arg2[%multiple_of3A_388, %multiple_of3A_393] : memref<512x100000xf32, #tpu.memory_space<hbm>> -> memref<8x128xf32, #tpu.memory_space<hbm>>
    tpu.wait_dma2 semaphore(%arg11 : memref<!tpu.dma_semaphore, #tpu.memory_space<semaphore_mem>>) src(%dma_wait3A_439 : memref<8x128xf32, #tpu.memory_space<hbm>>) dst(%arg6 : memref<8x128xf32, #tpu.memory_space<vmem>>)
    %slice3A_440 = vector.extract_strided_slice %get3A_5 {offsets = [10], sizes = [1], strides = [1]} : vector<16xi32> to vector<1xi32>
    %squeeze3A_441 = vector.extract %slice3A_440[0] : i32 from vector<1xi32>
    %and3A_442 = arith.constant 15 : i32
    %and3A_443 = arith.andi %squeeze3A_441, %and3A_442 : i32
    %and3A_444 = arith.constant -16 : i32
    %and3A_445 = arith.andi %squeeze3A_441, %and3A_444 : i32
    %and3A_446 = arith.constant -128 : i32
    %and3A_447 = arith.andi %squeeze3A_441, %and3A_446 : i32
    %sub3A_448 = arith.subi %and3A_445, %and3A_447 : i32
    %multiple_of3A_449 = tpu.assume_multiple %sub3A_448, 16 : i32
    %get3A_450 = arith.constant 2 : i32
    %get3A_451 = arith.index_cast %get3A_450 : i32 to index
    %get3A_452 = arith.index_cast %multiple_of3A_449 : i32 to index
    %get3A_453 = tpu.vector_load %arg6[%get3A_451, %get3A_452] {strides = array<i32>} : memref<8x128xf32, #tpu.memory_space<vmem>>, vector<1x16xf32>,
    %get3A_454 = vector.shape_cast %get3A_453 : vector<1x16xf32> to vector<16xf32>
    %broadcast_in_dim3A_455 = vector.broadcast %and3A_443 : i32 to vector<16xi32>
    %eq3A_456 = arith.cmpi eq, %iota3A, %broadcast_in_dim3A_455 : vector<16xi32>
    %slice3A_457 = vector.extract_strided_slice %get3A_8 {offsets = [10], sizes = [1], strides = [1]} : vector<16xf32> to vector<1xf32>
    %squeeze3A_458 = vector.extract %slice3A_457[0] : f32 from vector<1xf32>
    %jit3A_459 = arith.constant 0.000000e+00 : f32
    %broadcast_in_dim3A_460 = vector.broadcast %jit3A_459 : f32 to vector<16xf32>
    %select_n3A_461 = arith.select %eq3A_456, %get3A_454, %broadcast_in_dim3A_460 : vector<16xi1>, vector<16xf32>
    %mul3A_462 = vector.broadcast %squeeze3A_458 : f32 to vector<16xf32>
    %mul3A_463 = arith.mulf %mul3A_462, %select_n3A_461 : vector<16xf32>
    %swap3A_464 = arith.constant 10 : i32
    %swap3A_465 = arith.index_cast %swap3A_464 : i32 to index
    %swap3A_466 = arith.constant 0 : index
    %swap3A_467 = tpu.vector_load %arg10[%swap3A_465, %swap3A_466] {strides = array<i32>} : memref<16x16xf32, #tpu.memory_space<vmem>>, vector<1x16xf32>,
    %swap3A_468 = vector.shape_cast %swap3A_467 : vector<1x16xf32> to vector<16xf32>
    %swap3A_469 = vector.shape_cast %mul3A_463 : vector<16xf32> to vector<1x16xf32>
    tpu.vector_store %arg10[%swap3A_465, %swap3A_466], %swap3A_469 {strides = array<i32>} : memref<16x16xf32, #tpu.memory_space<vmem>>, vector<1x16xf32>,
    %add3A_470 = arith.constant 8 : i32
    %add3A_471 = arith.addi %mul3A_2, %add3A_470 : i32
    %multiple_of3A_472 = tpu.assume_multiple %add3A_471, 8 : i32
    %slice3A_473 = vector.extract_strided_slice %get3A_5 {offsets = [12], sizes = [1], strides = [1]} : vector<16xi32> to vector<1xi32>
    %squeeze3A_474 = vector.extract %slice3A_473[0] : i32 from vector<1xi32>
    %and3A_475 = arith.constant -128 : i32
    %and3A_476 = arith.andi %squeeze3A_474, %and3A_475 : i32
    %multiple_of3A_477 = tpu.assume_multiple %and3A_476, 128 : i32
    %dma_start3A_478 = tpu.memref_slice %arg2[%multiple_of3A_472, %multiple_of3A_477] : memref<512x100000xf32, #tpu.memory_space<hbm>> -> memref<8x128xf32, #tpu.memory_space<hbm>>
    %dma_start3A_479 = tpu.memref_slice %arg2[%multiple_of3A_472, %multiple_of3A_477] : memref<512x100000xf32, #tpu.memory_space<hbm>> -> memref<8x128xf32, #tpu.memory_space<hbm>>
    tpu.enqueue_dma source(%dma_start3A_479 : memref<8x128xf32, #tpu.memory_space<hbm>>) target(%arg6 : memref<8x128xf32, #tpu.memory_space<vmem>>) target_semaphore(%arg11 : memref<!tpu.dma_semaphore, #tpu.memory_space<semaphore_mem>>)
    %dma_wait3A_480 = tpu.memref_slice %arg2[%multiple_of3A_430, %multiple_of3A_435] : memref<512x100000xf32, #tpu.memory_space<hbm>> -> memref<8x128xf32, #tpu.memory_space<hbm>>
    %dma_wait3A_481 = tpu.memref_slice %arg2[%multiple_of3A_430, %multiple_of3A_435] : memref<512x100000xf32, #tpu.memory_space<hbm>> -> memref<8x128xf32, #tpu.memory_space<hbm>>
    tpu.wait_dma2 semaphore(%arg12 : memref<!tpu.dma_semaphore, #tpu.memory_space<semaphore_mem>>) src(%dma_wait3A_481 : memref<8x128xf32, #tpu.memory_space<hbm>>) dst(%arg7 : memref<8x128xf32, #tpu.memory_space<vmem>>)
    %slice3A_482 = vector.extract_strided_slice %get3A_5 {offsets = [11], sizes = [1], strides = [1]} : vector<16xi32> to vector<1xi32>
    %squeeze3A_483 = vector.extract %slice3A_482[0] : i32 from vector<1xi32>
    %and3A_484 = arith.constant 15 : i32
    %and3A_485 = arith.andi %squeeze3A_483, %and3A_484 : i32
    %and3A_486 = arith.constant -16 : i32
    %and3A_487 = arith.andi %squeeze3A_483, %and3A_486 : i32
    %and3A_488 = arith.constant -128 : i32
    %and3A_489 = arith.andi %squeeze3A_483, %and3A_488 : i32
    %sub3A_490 = arith.subi %and3A_487, %and3A_489 : i32
    %multiple_of3A_491 = tpu.assume_multiple %sub3A_490, 16 : i32
    %get3A_492 = arith.constant 3 : i32
    %get3A_493 = arith.index_cast %get3A_492 : i32 to index
    %get3A_494 = arith.index_cast %multiple_of3A_491 : i32 to index
    %get3A_495 = tpu.vector_load %arg7[%get3A_493, %get3A_494] {strides = array<i32>} : memref<8x128xf32, #tpu.memory_space<vmem>>, vector<1x16xf32>,
    %get3A_496 = vector.shape_cast %get3A_495 : vector<1x16xf32> to vector<16xf32>
    %broadcast_in_dim3A_497 = vector.broadcast %and3A_485 : i32 to vector<16xi32>
    %eq3A_498 = arith.cmpi eq, %iota3A, %broadcast_in_dim3A_497 : vector<16xi32>
    %slice3A_499 = vector.extract_strided_slice %get3A_8 {offsets = [11], sizes = [1], strides = [1]} : vector<16xf32> to vector<1xf32>
    %squeeze3A_500 = vector.extract %slice3A_499[0] : f32 from vector<1xf32>
    %jit3A_501 = arith.constant 0.000000e+00 : f32
    %broadcast_in_dim3A_502 = vector.broadcast %jit3A_501 : f32 to vector<16xf32>
    %select_n3A_503 = arith.select %eq3A_498, %get3A_496, %broadcast_in_dim3A_502 : vector<16xi1>, vector<16xf32>
    %mul3A_504 = vector.broadcast %squeeze3A_500 : f32 to vector<16xf32>
    %mul3A_505 = arith.mulf %mul3A_504, %select_n3A_503 : vector<16xf32>
    %swap3A_506 = arith.constant 11 : i32
    %swap3A_507 = arith.index_cast %swap3A_506 : i32 to index
    %swap3A_508 = arith.constant 0 : index
    %swap3A_509 = tpu.vector_load %arg10[%swap3A_507, %swap3A_508] {strides = array<i32>} : memref<16x16xf32, #tpu.memory_space<vmem>>, vector<1x16xf32>,
    %swap3A_510 = vector.shape_cast %swap3A_509 : vector<1x16xf32> to vector<16xf32>
    %swap3A_511 = vector.shape_cast %mul3A_505 : vector<16xf32> to vector<1x16xf32>
    tpu.vector_store %arg10[%swap3A_507, %swap3A_508], %swap3A_511 {strides = array<i32>} : memref<16x16xf32, #tpu.memory_space<vmem>>, vector<1x16xf32>,
    %add3A_512 = arith.constant 8 : i32
    %add3A_513 = arith.addi %mul3A_2, %add3A_512 : i32
    %multiple_of3A_514 = tpu.assume_multiple %add3A_513, 8 : i32
    %slice3A_515 = vector.extract_strided_slice %get3A_5 {offsets = [13], sizes = [1], strides = [1]} : vector<16xi32> to vector<1xi32>
    %squeeze3A_516 = vector.extract %slice3A_515[0] : i32 from vector<1xi32>
    %and3A_517 = arith.constant -128 : i32
    %and3A_518 = arith.andi %squeeze3A_516, %and3A_517 : i32
    %multiple_of3A_519 = tpu.assume_multiple %and3A_518, 128 : i32
    %dma_start3A_520 = tpu.memref_slice %arg2[%multiple_of3A_514, %multiple_of3A_519] : memref<512x100000xf32, #tpu.memory_space<hbm>> -> memref<8x128xf32, #tpu.memory_space<hbm>>
    %dma_start3A_521 = tpu.memref_slice %arg2[%multiple_of3A_514, %multiple_of3A_519] : memref<512x100000xf32, #tpu.memory_space<hbm>> -> memref<8x128xf32, #tpu.memory_space<hbm>>
    tpu.enqueue_dma source(%dma_start3A_521 : memref<8x128xf32, #tpu.memory_space<hbm>>) target(%arg7 : memref<8x128xf32, #tpu.memory_space<vmem>>) target_semaphore(%arg12 : memref<!tpu.dma_semaphore, #tpu.memory_space<semaphore_mem>>)
    %dma_wait3A_522 = tpu.memref_slice %arg2[%multiple_of3A_472, %multiple_of3A_477] : memref<512x100000xf32, #tpu.memory_space<hbm>> -> memref<8x128xf32, #tpu.memory_space<hbm>>
    %dma_wait3A_523 = tpu.memref_slice %arg2[%multiple_of3A_472, %multiple_of3A_477] : memref<512x100000xf32, #tpu.memory_space<hbm>> -> memref<8x128xf32, #tpu.memory_space<hbm>>
    tpu.wait_dma2 semaphore(%arg11 : memref<!tpu.dma_semaphore, #tpu.memory_space<semaphore_mem>>) src(%dma_wait3A_523 : memref<8x128xf32, #tpu.memory_space<hbm>>) dst(%arg6 : memref<8x128xf32, #tpu.memory_space<vmem>>)
    %slice3A_524 = vector.extract_strided_slice %get3A_5 {offsets = [12], sizes = [1], strides = [1]} : vector<16xi32> to vector<1xi32>
    %squeeze3A_525 = vector.extract %slice3A_524[0] : i32 from vector<1xi32>
    %and3A_526 = arith.constant 15 : i32
    %and3A_527 = arith.andi %squeeze3A_525, %and3A_526 : i32
    %and3A_528 = arith.constant -16 : i32
    %and3A_529 = arith.andi %squeeze3A_525, %and3A_528 : i32
    %and3A_530 = arith.constant -128 : i32
    %and3A_531 = arith.andi %squeeze3A_525, %and3A_530 : i32
    %sub3A_532 = arith.subi %and3A_529, %and3A_531 : i32
    %multiple_of3A_533 = tpu.assume_multiple %sub3A_532, 16 : i32
    %get3A_534 = arith.constant 4 : i32
    %get3A_535 = arith.index_cast %get3A_534 : i32 to index
    %get3A_536 = arith.index_cast %multiple_of3A_533 : i32 to index
    %get3A_537 = tpu.vector_load %arg6[%get3A_535, %get3A_536] {strides = array<i32>} : memref<8x128xf32, #tpu.memory_space<vmem>>, vector<1x16xf32>,
    %get3A_538 = vector.shape_cast %get3A_537 : vector<1x16xf32> to vector<16xf32>
    %broadcast_in_dim3A_539 = vector.broadcast %and3A_527 : i32 to vector<16xi32>
    %eq3A_540 = arith.cmpi eq, %iota3A, %broadcast_in_dim3A_539 : vector<16xi32>
    %slice3A_541 = vector.extract_strided_slice %get3A_8 {offsets = [12], sizes = [1], strides = [1]} : vector<16xf32> to vector<1xf32>
    %squeeze3A_542 = vector.extract %slice3A_541[0] : f32 from vector<1xf32>
    %jit3A_543 = arith.constant 0.000000e+00 : f32
    %broadcast_in_dim3A_544 = vector.broadcast %jit3A_543 : f32 to vector<16xf32>
    %select_n3A_545 = arith.select %eq3A_540, %get3A_538, %broadcast_in_dim3A_544 : vector<16xi1>, vector<16xf32>
    %mul3A_546 = vector.broadcast %squeeze3A_542 : f32 to vector<16xf32>
    %mul3A_547 = arith.mulf %mul3A_546, %select_n3A_545 : vector<16xf32>
    %swap3A_548 = arith.constant 12 : i32
    %swap3A_549 = arith.index_cast %swap3A_548 : i32 to index
    %swap3A_550 = arith.constant 0 : index
    %swap3A_551 = tpu.vector_load %arg10[%swap3A_549, %swap3A_550] {strides = array<i32>} : memref<16x16xf32, #tpu.memory_space<vmem>>, vector<1x16xf32>,
    %swap3A_552 = vector.shape_cast %swap3A_551 : vector<1x16xf32> to vector<16xf32>
    %swap3A_553 = vector.shape_cast %mul3A_547 : vector<16xf32> to vector<1x16xf32>
    tpu.vector_store %arg10[%swap3A_549, %swap3A_550], %swap3A_553 {strides = array<i32>} : memref<16x16xf32, #tpu.memory_space<vmem>>, vector<1x16xf32>,
    %add3A_554 = arith.constant 8 : i32
    %add3A_555 = arith.addi %mul3A_2, %add3A_554 : i32
    %multiple_of3A_556 = tpu.assume_multiple %add3A_555, 8 : i32
    %slice3A_557 = vector.extract_strided_slice %get3A_5 {offsets = [14], sizes = [1], strides = [1]} : vector<16xi32> to vector<1xi32>
    %squeeze3A_558 = vector.extract %slice3A_557[0] : i32 from vector<1xi32>
    %and3A_559 = arith.constant -128 : i32
    %and3A_560 = arith.andi %squeeze3A_558, %and3A_559 : i32
    %multiple_of3A_561 = tpu.assume_multiple %and3A_560, 128 : i32
    %dma_start3A_562 = tpu.memref_slice %arg2[%multiple_of3A_556, %multiple_of3A_561] : memref<512x100000xf32, #tpu.memory_space<hbm>> -> memref<8x128xf32, #tpu.memory_space<hbm>>
    %dma_start3A_563 = tpu.memref_slice %arg2[%multiple_of3A_556, %multiple_of3A_561] : memref<512x100000xf32, #tpu.memory_space<hbm>> -> memref<8x128xf32, #tpu.memory_space<hbm>>
    tpu.enqueue_dma source(%dma_start3A_563 : memref<8x128xf32, #tpu.memory_space<hbm>>) target(%arg6 : memref<8x128xf32, #tpu.memory_space<vmem>>) target_semaphore(%arg11 : memref<!tpu.dma_semaphore, #tpu.memory_space<semaphore_mem>>)
    %dma_wait3A_564 = tpu.memref_slice %arg2[%multiple_of3A_514, %multiple_of3A_519] : memref<512x100000xf32, #tpu.memory_space<hbm>> -> memref<8x128xf32, #tpu.memory_space<hbm>>
    %dma_wait3A_565 = tpu.memref_slice %arg2[%multiple_of3A_514, %multiple_of3A_519] : memref<512x100000xf32, #tpu.memory_space<hbm>> -> memref<8x128xf32, #tpu.memory_space<hbm>>
    tpu.wait_dma2 semaphore(%arg12 : memref<!tpu.dma_semaphore, #tpu.memory_space<semaphore_mem>>) src(%dma_wait3A_565 : memref<8x128xf32, #tpu.memory_space<hbm>>) dst(%arg7 : memref<8x128xf32, #tpu.memory_space<vmem>>)
    %slice3A_566 = vector.extract_strided_slice %get3A_5 {offsets = [13], sizes = [1], strides = [1]} : vector<16xi32> to vector<1xi32>
    %squeeze3A_567 = vector.extract %slice3A_566[0] : i32 from vector<1xi32>
    %and3A_568 = arith.constant 15 : i32
    %and3A_569 = arith.andi %squeeze3A_567, %and3A_568 : i32
    %and3A_570 = arith.constant -16 : i32
    %and3A_571 = arith.andi %squeeze3A_567, %and3A_570 : i32
    %and3A_572 = arith.constant -128 : i32
    %and3A_573 = arith.andi %squeeze3A_567, %and3A_572 : i32
    %sub3A_574 = arith.subi %and3A_571, %and3A_573 : i32
    %multiple_of3A_575 = tpu.assume_multiple %sub3A_574, 16 : i32
    %get3A_576 = arith.constant 5 : i32
    %get3A_577 = arith.index_cast %get3A_576 : i32 to index
    %get3A_578 = arith.index_cast %multiple_of3A_575 : i32 to index
    %get3A_579 = tpu.vector_load %arg7[%get3A_577, %get3A_578] {strides = array<i32>} : memref<8x128xf32, #tpu.memory_space<vmem>>, vector<1x16xf32>,
    %get3A_580 = vector.shape_cast %get3A_579 : vector<1x16xf32> to vector<16xf32>
    %broadcast_in_dim3A_581 = vector.broadcast %and3A_569 : i32 to vector<16xi32>
    %eq3A_582 = arith.cmpi eq, %iota3A, %broadcast_in_dim3A_581 : vector<16xi32>
    %slice3A_583 = vector.extract_strided_slice %get3A_8 {offsets = [13], sizes = [1], strides = [1]} : vector<16xf32> to vector<1xf32>
    %squeeze3A_584 = vector.extract %slice3A_583[0] : f32 from vector<1xf32>
    %jit3A_585 = arith.constant 0.000000e+00 : f32
    %broadcast_in_dim3A_586 = vector.broadcast %jit3A_585 : f32 to vector<16xf32>
    %select_n3A_587 = arith.select %eq3A_582, %get3A_580, %broadcast_in_dim3A_586 : vector<16xi1>, vector<16xf32>
    %mul3A_588 = vector.broadcast %squeeze3A_584 : f32 to vector<16xf32>
    %mul3A_589 = arith.mulf %mul3A_588, %select_n3A_587 : vector<16xf32>
    %swap3A_590 = arith.constant 13 : i32
    %swap3A_591 = arith.index_cast %swap3A_590 : i32 to index
    %swap3A_592 = arith.constant 0 : index
    %swap3A_593 = tpu.vector_load %arg10[%swap3A_591, %swap3A_592] {strides = array<i32>} : memref<16x16xf32, #tpu.memory_space<vmem>>, vector<1x16xf32>,
    %swap3A_594 = vector.shape_cast %swap3A_593 : vector<1x16xf32> to vector<16xf32>
    %swap3A_595 = vector.shape_cast %mul3A_589 : vector<16xf32> to vector<1x16xf32>
    tpu.vector_store %arg10[%swap3A_591, %swap3A_592], %swap3A_595 {strides = array<i32>} : memref<16x16xf32, #tpu.memory_space<vmem>>, vector<1x16xf32>,
    %add3A_596 = arith.constant 8 : i32
    %add3A_597 = arith.addi %mul3A_2, %add3A_596 : i32
    %multiple_of3A_598 = tpu.assume_multiple %add3A_597, 8 : i32
    %slice3A_599 = vector.extract_strided_slice %get3A_5 {offsets = [15], sizes = [1], strides = [1]} : vector<16xi32> to vector<1xi32>
    %squeeze3A_600 = vector.extract %slice3A_599[0] : i32 from vector<1xi32>
    %and3A_601 = arith.constant -128 : i32
    %and3A_602 = arith.andi %squeeze3A_600, %and3A_601 : i32
    %multiple_of3A_603 = tpu.assume_multiple %and3A_602, 128 : i32
    %dma_start3A_604 = tpu.memref_slice %arg2[%multiple_of3A_598, %multiple_of3A_603] : memref<512x100000xf32, #tpu.memory_space<hbm>> -> memref<8x128xf32, #tpu.memory_space<hbm>>
    %dma_start3A_605 = tpu.memref_slice %arg2[%multiple_of3A_598, %multiple_of3A_603] : memref<512x100000xf32, #tpu.memory_space<hbm>> -> memref<8x128xf32, #tpu.memory_space<hbm>>
    tpu.enqueue_dma source(%dma_start3A_605 : memref<8x128xf32, #tpu.memory_space<hbm>>) target(%arg7 : memref<8x128xf32, #tpu.memory_space<vmem>>) target_semaphore(%arg12 : memref<!tpu.dma_semaphore, #tpu.memory_space<semaphore_mem>>)
    %dma_wait3A_606 = tpu.memref_slice %arg2[%multiple_of3A_556, %multiple_of3A_561] : memref<512x100000xf32, #tpu.memory_space<hbm>> -> memref<8x128xf32, #tpu.memory_space<hbm>>
    %dma_wait3A_607 = tpu.memref_slice %arg2[%multiple_of3A_556, %multiple_of3A_561] : memref<512x100000xf32, #tpu.memory_space<hbm>> -> memref<8x128xf32, #tpu.memory_space<hbm>>
    tpu.wait_dma2 semaphore(%arg11 : memref<!tpu.dma_semaphore, #tpu.memory_space<semaphore_mem>>) src(%dma_wait3A_607 : memref<8x128xf32, #tpu.memory_space<hbm>>) dst(%arg6 : memref<8x128xf32, #tpu.memory_space<vmem>>)
    %slice3A_608 = vector.extract_strided_slice %get3A_5 {offsets = [14], sizes = [1], strides = [1]} : vector<16xi32> to vector<1xi32>
    %squeeze3A_609 = vector.extract %slice3A_608[0] : i32 from vector<1xi32>
    %and3A_610 = arith.constant 15 : i32
    %and3A_611 = arith.andi %squeeze3A_609, %and3A_610 : i32
    %and3A_612 = arith.constant -16 : i32
    %and3A_613 = arith.andi %squeeze3A_609, %and3A_612 : i32
    %and3A_614 = arith.constant -128 : i32
    %and3A_615 = arith.andi %squeeze3A_609, %and3A_614 : i32
    %sub3A_616 = arith.subi %and3A_613, %and3A_615 : i32
    %multiple_of3A_617 = tpu.assume_multiple %sub3A_616, 16 : i32
    %get3A_618 = arith.constant 6 : i32
    %get3A_619 = arith.index_cast %get3A_618 : i32 to index
    %get3A_620 = arith.index_cast %multiple_of3A_617 : i32 to index
    %get3A_621 = tpu.vector_load %arg6[%get3A_619, %get3A_620] {strides = array<i32>} : memref<8x128xf32, #tpu.memory_space<vmem>>, vector<1x16xf32>,
    %get3A_622 = vector.shape_cast %get3A_621 : vector<1x16xf32> to vector<16xf32>
    %broadcast_in_dim3A_623 = vector.broadcast %and3A_611 : i32 to vector<16xi32>
    %eq3A_624 = arith.cmpi eq, %iota3A, %broadcast_in_dim3A_623 : vector<16xi32>
    %slice3A_625 = vector.extract_strided_slice %get3A_8 {offsets = [14], sizes = [1], strides = [1]} : vector<16xf32> to vector<1xf32>
    %squeeze3A_626 = vector.extract %slice3A_625[0] : f32 from vector<1xf32>
    %jit3A_627 = arith.constant 0.000000e+00 : f32
    %broadcast_in_dim3A_628 = vector.broadcast %jit3A_627 : f32 to vector<16xf32>
    %select_n3A_629 = arith.select %eq3A_624, %get3A_622, %broadcast_in_dim3A_628 : vector<16xi1>, vector<16xf32>
    %mul3A_630 = vector.broadcast %squeeze3A_626 : f32 to vector<16xf32>
    %mul3A_631 = arith.mulf %mul3A_630, %select_n3A_629 : vector<16xf32>
    %swap3A_632 = arith.constant 14 : i32
    %swap3A_633 = arith.index_cast %swap3A_632 : i32 to index
    %swap3A_634 = arith.constant 0 : index
    %swap3A_635 = tpu.vector_load %arg10[%swap3A_633, %swap3A_634] {strides = array<i32>} : memref<16x16xf32, #tpu.memory_space<vmem>>, vector<1x16xf32>,
    %swap3A_636 = vector.shape_cast %swap3A_635 : vector<1x16xf32> to vector<16xf32>
    %swap3A_637 = vector.shape_cast %mul3A_631 : vector<16xf32> to vector<1x16xf32>
    tpu.vector_store %arg10[%swap3A_633, %swap3A_634], %swap3A_637 {strides = array<i32>} : memref<16x16xf32, #tpu.memory_space<vmem>>, vector<1x16xf32>,
    %dma_wait3A_638 = tpu.memref_slice %arg2[%multiple_of3A_598, %multiple_of3A_603] : memref<512x100000xf32, #tpu.memory_space<hbm>> -> memref<8x128xf32, #tpu.memory_space<hbm>>
    %dma_wait3A_639 = tpu.memref_slice %arg2[%multiple_of3A_598, %multiple_of3A_603] : memref<512x100000xf32, #tpu.memory_space<hbm>> -> memref<8x128xf32, #tpu.memory_space<hbm>>
    tpu.wait_dma2 semaphore(%arg12 : memref<!tpu.dma_semaphore, #tpu.memory_space<semaphore_mem>>) src(%dma_wait3A_639 : memref<8x128xf32, #tpu.memory_space<hbm>>) dst(%arg7 : memref<8x128xf32, #tpu.memory_space<vmem>>)
    %slice3A_640 = vector.extract_strided_slice %get3A_5 {offsets = [15], sizes = [1], strides = [1]} : vector<16xi32> to vector<1xi32>
    %squeeze3A_641 = vector.extract %slice3A_640[0] : i32 from vector<1xi32>
    %and3A_642 = arith.constant 15 : i32
    %and3A_643 = arith.andi %squeeze3A_641, %and3A_642 : i32
    %and3A_644 = arith.constant -16 : i32
    %and3A_645 = arith.andi %squeeze3A_641, %and3A_644 : i32
    %and3A_646 = arith.constant -128 : i32
    %and3A_647 = arith.andi %squeeze3A_641, %and3A_646 : i32
    %sub3A_648 = arith.subi %and3A_645, %and3A_647 : i32
    %multiple_of3A_649 = tpu.assume_multiple %sub3A_648, 16 : i32
    %get3A_650 = arith.constant 7 : i32
    %get3A_651 = arith.index_cast %get3A_650 : i32 to index
    %get3A_652 = arith.index_cast %multiple_of3A_649 : i32 to index
    %get3A_653 = tpu.vector_load %arg7[%get3A_651, %get3A_652] {strides = array<i32>} : memref<8x128xf32, #tpu.memory_space<vmem>>, vector<1x16xf32>,
    %get3A_654 = vector.shape_cast %get3A_653 : vector<1x16xf32> to vector<16xf32>
    %broadcast_in_dim3A_655 = vector.broadcast %and3A_643 : i32 to vector<16xi32>
    %eq3A_656 = arith.cmpi eq, %iota3A, %broadcast_in_dim3A_655 : vector<16xi32>
    %slice3A_657 = vector.extract_strided_slice %get3A_8 {offsets = [15], sizes = [1], strides = [1]} : vector<16xf32> to vector<1xf32>
    %squeeze3A_658 = vector.extract %slice3A_657[0] : f32 from vector<1xf32>
    %jit3A_659 = arith.constant 0.000000e+00 : f32
    %broadcast_in_dim3A_660 = vector.broadcast %jit3A_659 : f32 to vector<16xf32>
    %select_n3A_661 = arith.select %eq3A_656, %get3A_654, %broadcast_in_dim3A_660 : vector<16xi1>, vector<16xf32>
    %mul3A_662 = vector.broadcast %squeeze3A_658 : f32 to vector<16xf32>
    %mul3A_663 = arith.mulf %mul3A_662, %select_n3A_661 : vector<16xf32>
    %swap3A_664 = arith.constant 15 : i32
    %swap3A_665 = arith.index_cast %swap3A_664 : i32 to index
    %swap3A_666 = arith.constant 0 : index
    %swap3A_667 = tpu.vector_load %arg10[%swap3A_665, %swap3A_666] {strides = array<i32>} : memref<16x16xf32, #tpu.memory_space<vmem>>, vector<1x16xf32>,
    %swap3A_668 = vector.shape_cast %swap3A_667 : vector<1x16xf32> to vector<16xf32>
    %swap3A_669 = vector.shape_cast %mul3A_663 : vector<16xf32> to vector<1x16xf32>
    tpu.vector_store %arg10[%swap3A_665, %swap3A_666], %swap3A_669 {strides = array<i32>} : memref<16x16xf32, #tpu.memory_space<vmem>>, vector<1x16xf32>,
    "tpu.region"() ({
      %run_scoped3A = tpu.sem_alloc : memref<!tpu.dma_semaphore, #tpu.memory_space<semaphore_mem>>
      %dma_start3A_670 = arith.constant 0 : i32
      %dma_start3A_671 = arith.constant 0 : i32
      %dma_start3A_672 = tpu.memref_slice %arg5[%add3A, %dma_start3A_670, %dma_start3A_671] : memref<32x16x16xf32, #tpu.memory_space<hbm>> -> memref<1x16x16xf32, #tpu.memory_space<hbm>>
      %dma_start3A_673 = tpu.memref_squeeze %dma_start3A_672 : memref<1x16x16xf32, #tpu.memory_space<hbm>> -> memref<16x16xf32, #tpu.memory_space<hbm>>
      %dma_start3A_674 = arith.constant 0 : i32
      %dma_start3A_675 = arith.constant 0 : i32
      %dma_start3A_676 = tpu.memref_slice %arg5[%add3A, %dma_start3A_674, %dma_start3A_675] : memref<32x16x16xf32, #tpu.memory_space<hbm>> -> memref<1x16x16xf32, #tpu.memory_space<hbm>>
      %dma_start3A_677 = tpu.memref_squeeze %dma_start3A_676 : memref<1x16x16xf32, #tpu.memory_space<hbm>> -> memref<16x16xf32, #tpu.memory_space<hbm>>
      tpu.enqueue_dma source(%arg10 : memref<16x16xf32, #tpu.memory_space<vmem>>) target(%dma_start3A_677 : memref<16x16xf32, #tpu.memory_space<hbm>>) target_semaphore(%run_scoped3A : memref<!tpu.dma_semaphore, #tpu.memory_space<semaphore_mem>>)
      %dma_wait3A_678 = arith.constant 0 : i32
      %dma_wait3A_679 = arith.constant 0 : i32
      %dma_wait3A_680 = tpu.memref_slice %arg5[%add3A, %dma_wait3A_678, %dma_wait3A_679] : memref<32x16x16xf32, #tpu.memory_space<hbm>> -> memref<1x16x16xf32, #tpu.memory_space<hbm>>
      %dma_wait3A_681 = tpu.memref_squeeze %dma_wait3A_680 : memref<1x16x16xf32, #tpu.memory_space<hbm>> -> memref<16x16xf32, #tpu.memory_space<hbm>>
      %dma_wait3A_682 = arith.constant 0 : i32
      %dma_wait3A_683 = arith.constant 0 : i32
      %dma_wait3A_684 = tpu.memref_slice %arg5[%add3A, %dma_wait3A_682, %dma_wait3A_683] : memref<32x16x16xf32, #tpu.memory_space<hbm>> -> memref<1x16x16xf32, #tpu.memory_space<hbm>>
      %dma_wait3A_685 = tpu.memref_squeeze %dma_wait3A_684 : memref<1x16x16xf32, #tpu.memory_space<hbm>> -> memref<16x16xf32, #tpu.memory_space<hbm>>
      tpu.wait_dma2 semaphore(%run_scoped3A : memref<!tpu.dma_semaphore, #tpu.memory_space<semaphore_mem>>) src(%arg10 : memref<16x16xf32, #tpu.memory_space<vmem>>) dst(%dma_wait3A_685 : memref<16x16xf32, #tpu.memory_space<hbm>>)
      tpu.yield
    }) : () -> ()
    return
  }
}

module attributes {stable_mosaic.version = 14 : i64} {
  func.func @_tc_kernel(%arg0: i32, %arg1: memref<32x100000xf32, #tpu.memory_space<vmem>>, %arg2: memref<32x1xf32, #tpu.memory_space<vmem>>, %arg3: memref<1x2xf32, #tpu.memory_space<vmem>>, %arg4: memref<1x1xf32, #tpu.memory_space<vmem>>, %arg5: memref<1x1xf32, #tpu.memory_space<vmem>>) attributes {dimension_semantics = [#tpu.dimension_semantics<arbitrary>], iteration_bounds = array<i64: 16>, scalar_prefetch = 0 : i64, scratch_operands = 2 : i64, tpu.core_type = #tpu.core_type<tc>, window_params = [{transform_indices = @transform_0, window_bounds = array<i64: 32, 100000>}, {transform_indices = @transform_1, window_bounds = array<i64: 32, 1>}, {pipeline_mode = #tpu.pipeline_mode<synchronous>, transform_indices = @transform_2, window_bounds = array<i64: 1, 2>}]} {
    %eq3A = arith.constant 0 : i32
    %eq3A_0 = arith.cmpi eq, %arg0, %eq3A : i32
    %convert_element_type3A = arith.extui %eq3A_0 : i1 to i32
    %cond3A = arith.constant 0 : i32
    %cond3A_1 = arith.cmpi ne, %convert_element_type3A, %cond3A : i32
    scf.if %cond3A_1 {
      %broadcast_in_dim3A_45 = arith.constant 0.000000e+00 : f32
      %broadcast_in_dim3A_46 = vector.broadcast %broadcast_in_dim3A_45 : f32 to vector<1x1xf32>
      %swap3A_47 = arith.constant 0 : index
      %swap3A_48 = arith.constant 0 : index
      %swap3A_49 = vector.load %arg4[%swap3A_47, %swap3A_48] : memref<1x1xf32, #tpu.memory_space<vmem>>, vector<1x1xf32>
      tpu.vector_store %arg4[%swap3A_47, %swap3A_48], %broadcast_in_dim3A_46 {strides = array<i32>} : memref<1x1xf32, #tpu.memory_space<vmem>>, vector<1x1xf32>,
      %broadcast_in_dim3A_50 = arith.constant 0.000000e+00 : f32
      %broadcast_in_dim3A_51 = vector.broadcast %broadcast_in_dim3A_50 : f32 to vector<1x1xf32>
      %swap3A_52 = arith.constant 0 : index
      %swap3A_53 = arith.constant 0 : index
      %swap3A_54 = vector.load %arg5[%swap3A_52, %swap3A_53] : memref<1x1xf32, #tpu.memory_space<vmem>>, vector<1x1xf32>
      tpu.vector_store %arg5[%swap3A_52, %swap3A_53], %broadcast_in_dim3A_51 {strides = array<i32>} : memref<1x1xf32, #tpu.memory_space<vmem>>, vector<1x1xf32>,
    } else {
    }
    %get3A = arith.constant 0 : index
    %get3A_2 = arith.constant 0 : index
    %get3A_3 = vector.load %arg1[%get3A, %get3A_2] : memref<32x100000xf32, #tpu.memory_space<vmem>>, vector<32x100000xf32>
    %iota3A = tpu.iota {dimensions = array<i32: 1>} : vector<32x100000xi32>
    %lt3A = arith.constant 100000 : i32
    %lt3A_4 = vector.broadcast %lt3A : i32 to vector<32x100000xi32>
    %lt3A_5 = arith.cmpi slt, %iota3A, %lt3A_4 : vector<32x100000xi32>
    %jit3A = arith.constant 0.000000e+00 : f32
    %broadcast_in_dim3A = vector.broadcast %jit3A : f32 to vector<32x100000xf32>
    %select_n3A = arith.select %lt3A_5, %get3A_3, %broadcast_in_dim3A : vector<32x100000xi1>, vector<32x100000xf32>
    %reduce_sum3A = arith.constant dense<0.000000e+00> : vector<32xf32>
    %reduce_sum3A_6 = vector.multi_reduction <add>, %select_n3A, %reduce_sum3A [1] : vector<32x100000xf32> to vector<32xf32>
    %broadcast_in_dim3A_7 = vector.shape_cast %reduce_sum3A_6 : vector<32xf32> to vector<32x1xf32>
    %get3A_8 = arith.constant 0 : index
    %get3A_9 = arith.constant 0 : index
    %get3A_10 = vector.load %arg2[%get3A_8, %get3A_9] : memref<32x1xf32, #tpu.memory_space<vmem>>, vector<32x1xf32>
    %get3A_11 = arith.constant 0 : index
    %get3A_12 = arith.constant 0 : index
    %get3A_13 = vector.load %arg4[%get3A_11, %get3A_12] : memref<1x1xf32, #tpu.memory_space<vmem>>, vector<1x1xf32>
    %mul3A = arith.constant 1.000010e-06 : f32
    %mul3A_14 = vector.broadcast %mul3A : f32 to vector<32x1xf32>
    %mul3A_15 = arith.mulf %mul3A_14, %broadcast_in_dim3A_7 : vector<32x1xf32>
    %sub3A = arith.constant -1.47637451 : f32
    %sub3A_16 = vector.broadcast %sub3A : f32 to vector<32x1xf32>
    %sub3A_17 = arith.subf %sub3A_16, %mul3A_15 : vector<32x1xf32>
    %mul3A_18 = arith.mulf %get3A_10, %sub3A_17 : vector<32x1xf32>
    %reduce_sum3A_19 = vector.shape_cast %mul3A_18 : vector<32x1xf32> to vector<1x32x1xf32>
    %reduce_sum3A_20 = arith.constant dense<0.000000e+00> : vector<1xf32>
    %reduce_sum3A_21 = vector.multi_reduction <add>, %reduce_sum3A_19, %reduce_sum3A_20 [1, 2] : vector<1x32x1xf32> to vector<1xf32>
    %reduce_sum3A_22 = vector.shape_cast %reduce_sum3A_21 : vector<1xf32> to vector<1x1x1xf32>
    %reduce_sum3A_23 = vector.extract %reduce_sum3A_22[0, 0, 0] : f32 from vector<1x1x1xf32>
    %broadcast_in_dim3A_24 = vector.broadcast %reduce_sum3A_23 : f32 to vector<1x1xf32>
    %add3A = arith.addf %get3A_13, %broadcast_in_dim3A_24 : vector<1x1xf32>
    %swap3A = arith.constant 0 : index
    %swap3A_25 = arith.constant 0 : index
    %swap3A_26 = vector.load %arg4[%swap3A, %swap3A_25] : memref<1x1xf32, #tpu.memory_space<vmem>>, vector<1x1xf32>
    tpu.vector_store %arg4[%swap3A, %swap3A_25], %add3A {strides = array<i32>} : memref<1x1xf32, #tpu.memory_space<vmem>>, vector<1x1xf32>,
    %get3A_27 = arith.constant 0 : index
    %get3A_28 = arith.constant 0 : index
    %get3A_29 = vector.load %arg5[%get3A_27, %get3A_28] : memref<1x1xf32, #tpu.memory_space<vmem>>, vector<1x1xf32>
    %reduce_sum3A_30 = vector.shape_cast %get3A_10 : vector<32x1xf32> to vector<1x32x1xf32>
    %reduce_sum3A_31 = arith.constant dense<0.000000e+00> : vector<1xf32>
    %reduce_sum3A_32 = vector.multi_reduction <add>, %reduce_sum3A_30, %reduce_sum3A_31 [1, 2] : vector<1x32x1xf32> to vector<1xf32>
    %reduce_sum3A_33 = vector.shape_cast %reduce_sum3A_32 : vector<1xf32> to vector<1x1x1xf32>
    %reduce_sum3A_34 = vector.extract %reduce_sum3A_33[0, 0, 0] : f32 from vector<1x1x1xf32>
    %broadcast_in_dim3A_35 = vector.broadcast %reduce_sum3A_34 : f32 to vector<1x1xf32>
    %add3A_36 = arith.addf %get3A_29, %broadcast_in_dim3A_35 : vector<1x1xf32>
    %swap3A_37 = arith.constant 0 : index
    %swap3A_38 = arith.constant 0 : index
    %swap3A_39 = vector.load %arg5[%swap3A_37, %swap3A_38] : memref<1x1xf32, #tpu.memory_space<vmem>>, vector<1x1xf32>
    tpu.vector_store %arg5[%swap3A_37, %swap3A_38], %add3A_36 {strides = array<i32>} : memref<1x1xf32, #tpu.memory_space<vmem>>, vector<1x1xf32>,
    %eq3A_40 = arith.constant 15 : i32
    %eq3A_41 = arith.cmpi eq, %arg0, %eq3A_40 : i32
    %convert_element_type3A_42 = arith.extui %eq3A_41 : i1 to i32
    %cond3A_43 = arith.constant 0 : i32
    %cond3A_44 = arith.cmpi ne, %convert_element_type3A_42, %cond3A_43 : i32
    scf.if %cond3A_44 {
      %get3A_45 = arith.constant 0 : index
      %get3A_46 = arith.constant 0 : index
      %get3A_47 = vector.load %arg4[%get3A_45, %get3A_46] : memref<1x1xf32, #tpu.memory_space<vmem>>, vector<1x1xf32>
      %swap3A_48 = arith.constant 0 : index
      %swap3A_49 = arith.constant 0 : index
      %swap3A_50 = vector.load %arg3[%swap3A_48, %swap3A_49] : memref<1x2xf32, #tpu.memory_space<vmem>>, vector<1x1xf32>
      tpu.vector_store %arg3[%swap3A_48, %swap3A_49], %get3A_47 {strides = array<i32>} : memref<1x2xf32, #tpu.memory_space<vmem>>, vector<1x1xf32>,
      %get3A_51 = arith.constant 0 : index
      %get3A_52 = arith.constant 0 : index
      %get3A_53 = vector.load %arg5[%get3A_51, %get3A_52] : memref<1x1xf32, #tpu.memory_space<vmem>>, vector<1x1xf32>
      %swap3A_54 = arith.constant 0 : index
      %swap3A_55 = arith.constant 1 : index
      %swap3A_56 = vector.load %arg3[%swap3A_54, %swap3A_55] : memref<1x2xf32, #tpu.memory_space<vmem>>, vector<1x1xf32>
      tpu.vector_store %arg3[%swap3A_54, %swap3A_55], %get3A_53 {strides = array<i32>} : memref<1x2xf32, #tpu.memory_space<vmem>>, vector<1x1xf32>,
    } else {
    }
    return
  }
  func.func @transform_0(%arg0: i32) -> (i32, i32) {
    %c0_i32 = arith.constant 0 : i32
    %c0_i32_0 = arith.constant 0 : i32
    return %arg0, %c0_i32 : i32, i32
  }
  func.func @transform_1(%arg0: i32) -> (i32, i32) {
    %c0_i32 = arith.constant 0 : i32
    %c0_i32_0 = arith.constant 0 : i32
    return %arg0, %c0_i32 : i32, i32
  }
  func.func @transform_2(%arg0: i32) -> (i32, i32) {
    %c0_i32 = arith.constant 0 : i32
    %c0_i32_0 = arith.constant 0 : i32
    %c0_i32_1 = arith.constant 0 : i32
    return %c0_i32, %c0_i32_0 : i32, i32
  }
}

</mosaic_0001>

<sc_bundles>
// kernel: kernel.4.cloned.1.call-start
scs
__scs_entry_jumppad:
0x0: {  	(pc) =	sbr.rel $0x88, $3  }
0x1: {  	(tag) =	ssettag $0x0;
	lr =	simm.s32 $0x1  }
0x2: {  	[smem:$0x3F9E] =	sst lr;
	_ =	strace $0xD0000000  }
0x3: {  	_ = 	snop  }
0x4: {  	_ = 	snop  }
0x5: {  	_ = 	snop  }
0x6: {  	_ = 	snop  }
0x7: {  	_ = 	snop  }
__scs_overlays_trampoline_lowered:
0x8: {  	[smem:$0x3FAD] =	sst s0  }
0x9: {  	[smem:$0x3FAE] =	sst s1  }
0xa: {  	[smem:$0x3FAF] =	sst s2  }
0xb: {  	[smem:$0x3FB0] =	sst s3  }
0xc: {  	[smem:$0x3FB1] =	sst s4  }
0xd: {  	[smem:$0x3FB2] =	sst s5  }
0xe: {  	[smem:$0x3FB3] =	sst s6  }
0xf: {  	[smem:$0x3FB4] =	sst s7  }
0x10: {  	[smem:$0x3FB5] =	sst s8  }
0x11: {  	[smem:$0x3FB6] =	sst s9;
	s0 =	simm.s32 @!p0 $0x0  }
0x12: {  	s1 =	sld [smem:$0x3F9C];
	s0 =	simm.s32 @p0 $0x1  }
0x13: {  	[smem:$0x3FB7] =	sst s0;
	s0 =	simm.s32 @!p1 $0x0  }
0x14: {  	s2 =	sld [smem:$0x3F9B];
	s0 =	simm.s32 @p1 $0x1  }
0x15: {  	[smem:$0x3FB8] =	sst s0;
	s0 =	simm.s32 @!p2 $0x0  }
0x16: {  	s3 =	sld [smem:$0x3FDB];
	s0 =	simm.s32 @p2 $0x1  }
0x17: {  	s4 =	simm.s32 $0x1BF5;
	[smem:$0x3FBA] =	sst s0  }
0x18: {  	s0 =	sld [smem:$0x3F9D];
	_ =	swait.ge [sflag:s4], $0x0  }
0x19: {  	s7 =	sld [smem:$0x3F9E]  }
0x1a: {  	s8 =	sadd.s32 $0xFFFFE003, lr  }
0x1b: {  	s9 =	sadd.s32 $0xFFFFFEF7, lr;
	s5 =	simm.s32 $0xFFFFFFFF;
	p2 =	slt.u32 s8, $0xFFFFF086  }
0x1c: {  	p1 =	slt.u32 s9, $0xF7A;
	s5 =	simm.s32 @!p2 $0x0  }
0x1d: {  	s5 =	simm.s32 @p1 $0x1;
	p0 =	seq.s32 s7, s2  }
0x1e: {  	s7 =	smul.u32 @!p0 $0xF7A, s2;
	p2 =	seq.s32 @!p0 s5, $0x0  }
0x1f: {  	s9 =	smul.u32 $0xF7A, s1;
	s8 =	simm.s32 @!p0 $0x1BF5;
	p2 =	por !p2, p0  }
0x20: {  	[sflag:s8] =	ssyncset.s32 @!p0 $0xFFFFF086;
	s6 =	sadd.s32 @!p0 s3, s7;
	s7 =	simm.s32 @!p0 $0x108  }
0x21: {  	s3 =	sadd.s32 s3, s9;
	s6 =	sadd.s32 @!p0 $0x88, s6;
	s7 =	simm.s32 @p2 $0x1082  }
0x22: {  	[simem:s7], [sflag:s8] =	dma.local @!p0 [hbm:s6], $0xF7A  }
0x23: {  	s9 =	sor.u32 $0xD0000000, s2;
	s6 =	simm.s32 $0x108;
	_ =	swait.ge @!p0 [sflag:s8], $0x0  }
0x24: {  	s3 =	sadd.s32 $0x88, s3;
	s6 =	simm.s32 @!p1 $0x1082;
	[sflag:s4] =	ssyncset.s32 $0xFFFFF086  }
0x25: {  	[simem:s6], [sflag:s4] =	dma.local [hbm:s3], $0xF7A  }
0x26: {  	[smem:$0x3F9E] =	sst s1;
	(tag) =	ssettag s2;
	_ =	strace s9  }
0x27: {  	s1 =	sld [smem:$0x3FAE]  }
0x28: {  	s2 =	sld [smem:$0x3FAF]  }
0x29: {  	s4 =	sld [smem:$0x3FB1]  }
0x2a: {  	p0 =	seq.s32 s5, $0x0;
	s5 =	sld [smem:$0x3FB2]  }
0x2b: {  	s6 =	sld [smem:$0x3FB3]  }
0x2c: {  	s7 =	sld [smem:$0x3FB4]  }
0x2d: {  	s3 =	simm.s32 $0x108;
	s8 =	sld [smem:$0x3FB5]  }
0x2e: {  	s3 =	simm.s32 @!p0 $0x1082;
	s9 =	sld [smem:$0x3FB6]  }
0x2f: {  	lr =	sadd.s32 s0, s3;
	s0 =	sld [smem:$0x3FAD]  }
0x30: {  	s3 =	sld [smem:$0x3FB0]  }
0x31: {  	[smem:$0x3FB9] =	sst s10  }
0x32: {  	s10 =	sld [smem:$0x3FB7];
	_ =	sdelay $0x3  }
0x33: {  	p0 =	seq.s32 s10, $0x1;
	s10 =	sld [smem:$0x3FB9];
	_ =	sdelay $0x3  }
0x34: {  	[smem:$0x3FB9] =	sst s10  }
0x35: {  	s10 =	sld [smem:$0x3FB8];
	_ =	sdelay $0x3  }
0x36: {  	p1 =	seq.s32 s10, $0x1;
	s10 =	sld [smem:$0x3FB9];
	_ =	sdelay $0x3  }
0x37: {  	[smem:$0x3FB9] =	sst s10  }
0x38: {  	s10 =	sld [smem:$0x3FBA]  }
0x39: {  	_ = 	snop;
	(pc) =	sbr.ind lr, $3  }
0x3a: {  	_ = 	snop  }
0x3b: {  	_ = 	snop  }
0x3c: {  	p2 =	seq.s32 s10, $0x1;
	s10 =	sld [smem:$0x3FB9]  }
0x3d: {  	_ =	shalt  }
0x3e: {  	_ =	shalt  }
0x3f: {  	_ =	shalt  }
0x40: {  	_ =	shalt  }
0x41: {  	_ =	shalt  }
0x42: {  	_ =	shalt  }
0x43: {  	_ =	shalt  }
0x44: {  	_ =	shalt  }
0x45: {  	_ =	shalt  }
0x46: {  	_ =	shalt  }
0x47: {  	_ =	shalt  }
0x48: {  	_ =	shalt  }
0x49: {  	_ =	shalt  }
0x4a: {  	_ =	shalt  }
0x4b: {  	_ =	shalt  }
0x4c: {  	_ =	shalt  }
0x4d: {  	_ =	shalt  }
0x4e: {  	_ =	shalt  }
0x4f: {  	_ =	shalt  }
0x50: {  	_ =	shalt  }
0x51: {  	_ =	shalt  }
0x52: {  	_ =	shalt  }
0x53: {  	_ =	shalt  }
0x54: {  	_ =	shalt  }
0x55: {  	_ =	shalt  }
0x56: {  	_ =	shalt  }
0x57: {  	_ =	shalt  }
0x58: {  	_ =	shalt  }
0x59: {  	_ =	shalt  }
0x5a: {  	_ =	shalt  }
0x5b: {  	_ =	shalt  }
0x5c: {  	_ =	shalt  }
0x5d: {  	_ =	shalt  }
0x5e: {  	_ =	shalt  }
0x5f: {  	_ =	shalt  }
0x60: {  	_ =	shalt  }
0x61: {  	_ =	shalt  }
0x62: {  	_ =	shalt  }
0x63: {  	_ =	shalt  }
0x64: {  	_ =	shalt  }
0x65: {  	_ =	shalt  }
0x66: {  	_ =	shalt  }
0x67: {  	_ =	shalt  }
0x68: {  	_ =	shalt  }
0x69: {  	_ =	shalt  }
0x6a: {  	_ =	shalt  }
0x6b: {  	_ =	shalt  }
0x6c: {  	_ =	shalt  }
0x6d: {  	_ =	shalt  }
0x6e: {  	_ =	shalt  }
0x6f: {  	_ =	shalt  }
0x70: {  	_ =	shalt  }
0x71: {  	_ =	shalt  }
0x72: {  	_ =	shalt  }
0x73: {  	_ =	shalt  }
0x74: {  	_ =	shalt  }
0x75: {  	_ =	shalt  }
0x76: {  	_ =	shalt  }
0x77: {  	_ =	shalt  }
0x78: {  	_ =	shalt  }
0x79: {  	_ =	shalt  }
0x7a: {  	_ =	shalt  }
0x7b: {  	_ =	shalt  }
0x7c: {  	_ =	shalt  }
0x7d: {  	_ =	shalt  }
0x7e: {  	_ =	shalt  }
0x7f: {  	_ =	shalt  }
0x80: {  	_ =	shalt  }
0x81: {  	_ =	shalt  }
0x82: {  	_ =	shalt  }
0x83: {  	_ =	shalt  }
0x84: {  	_ =	shalt  }
0x85: {  	_ =	shalt  }
0x86: {  	_ =	shalt  }
0x87: {  	_ =	shalt  }
.Lfunc_end0:
.L_simem_size_0:
called_computation_lowered:
.L_overlay_start_0:
0x88: {  	s2 =	sld [smem:$0x3FD9]  }
0x89: {  	s3 =	sld [smem:$0x3FFE];
	_ =	sdelay $0x1  }
0x8a: {  	s1 =	srdreg.scid  }
0x8b: {  	s0 =	sand.u32 $0x1, s1  }
0x8c: {  	s17 =	sshll.u32 s0, $0xA;
	s2 =	sadd.s32 s3, s2  }
0x8d: {  	s2 =	sadd.s32 s2, s17  }
0x8e: {  	[smem:$0x3FC5] =	sst s2  }
0x8f: {  	_ = 	snop  }
0x90: {  	s2 =	sld [smem:$0x3FC9];
	(tm) =	ssettm $0x1  }
0x91: {  	s18 =	sld [smem:$0x3FFB];
	_ =	sdelay $0x3  }
0x92: {  	_ =	strace s18  }
0x93: {  	s3 =	sld [smem:$0x3FFC];
	_ =	sdelay $0x3  }
0x94: {  	_ =	strace s3  }
0x95: {  	s3 =	sld [smem:$0x3FFD];
	_ =	sdelay $0x3  }
0x96: {  	_ =	strace s3  }
0x97: {  	_ =	strace $0x8FFFFFFF  }
0x98: {  	s19 =	sld [smem:$0x3FDB];
	_ =	sdelay $0x1  }
0x99: {  	s4 =	simm.s32 $_scs_section_size  }
0x9a: {  	s5 =	simm.s32 $_size__tile_overlayer_lowered;
	s6 =	simm.s32 $_tile_overlayer_lowered  }
0x9b: {  	s22 =	simm.s32 $0x1BFF;
	s21 =	sshll.u32 s6, $0x1;
	s3 =	sadd.s32 s4, s19  }
0x9c: {  	s7 =	simm.s32 $0x0;
	s20 =	sshll.u32 s5, $0x1;
	s5 =	sadd.s32 s21, s3  }
0x9d: {  	[timem:s7], [sflag:s22] =	dma.local [hbm:s5], s20  }
0x9e: {  	_ =	swait.ge [sflag:s22], s20  }
0x9f: {  	s4 =	ssub.s32 $0x0, s20;
	[sflag:s22] =	ssyncset.done $0x0  }
0xa0: {  	[sflag:s22] =	ssyncadd.s32 s4;
	_ =	sdelay $0x1  }
0xa1: {  	s23 =	simm.s32 $0x1B8B  }
0xa2: {  	_ =	swait.ge [sflag:s23], $0x1  }
0xa3: {  	[sflag:s23] =	ssyncset.done $0x0  }
0xa4: {  	s25 =	simm.s32 $0x1B8E;
	s24 =	sld [smem:$0x3FFE];
	[sflag:s23] =	ssyncadd.s32 $0xFFFFFFFF  }
0xa5: {  	s26 =	simm.s32 $execute0_lowered;
	[smem:$0x3FD2] =	sst s25  }
0xa6: {  	s5 =	sshll.u32 s26, $0x1;
	_ =	strace $0x80000046;
	[dreg:$0x1] =	wrdreg $0xFFFFFFFF  }
0xa7: {  	s28 =	simm.s32 $_size_execute0_lowered;
	s3 =	sadd.s32 s3, s5;
	[dreg:$0x0] =	wrdreg $0x0  }
0xa8: {  	s5 =	sshll.u32 s28, $0x1;
	[dreg:$0x2] =	wrdreg s3  }
0xa9: {  	[dreg:$0x3] =	wrdreg s5  }
0xaa: {  	[dreg:$0x4] =	wrdreg $0xC0  }
0xab: {  	_ =	task [dreg:s7], $0x5FFFF  }
0xac: {  	[dreg:$0x1] =	wrdreg $0xFFFFFFFF  }
0xad: {  	[dreg:$0x0] =	wrdreg $0x60  }
0xae: {  	[dreg:$0x2] =	wrdreg s2  }
0xaf: {  	[dreg:$0x3] =	wrdreg s24  }
0xb0: {  	[dreg:$0x4] =	wrdreg $0x9  }
0xb1: {  	_ =	task.clear_ibuf [dreg:s7], $0x5FFFF;
	_ =	strace $0x90000046  }
0xb2: {  	s29 =	simm.s32 $0x9;
	_ =	strace $0x80000048  }
0xb3: {  	_ =	swait.ge [sflag:s29], $0x1  }
0xb4: {  	[sflag:s29] =	ssyncadd.s32 $0xFFFFFFFF  }
0xb5: {  	_ =	strace $0x90000048  }
0xb6: {  	_ =	sfence  }
0xb7: {  	s30 =	sld [smem:$0x0];
	_ =	sdelay $0x2  }
0xb8: {  	s31 =	sshll.u32 s1, $0xD;
	s1 =	sshrl.u32 s1, $0x2  }
0xb9: {  	s3 =	sand.u32 $0x4000, s31;
	s1 =	sadd.s32 s1, s30  }
0xba: {  	s0 =	sor.u32 s3, s0;
	s1 =	sshll.u32 s1, $0x11  }
0xbb: {  	s0 =	sor.u32 s1, s0  }
0xbc: {  	s0 =	sadd.s32 $0x8F2B, s0  }
0xbd: {  	[sflag:s0] =	ssyncadd.remote.s32 $0x1  }
0xbe: {  	_ =	sfence.sel $0xFFFF  }
0xbf: {  	[dreg:$0x0] =	wrdreg $0xFFFFFFFF;
	(pc) =	sbr.abs _section_cstart, $3  }
0xc0: {  	[dreg:$0x1] =	wrdreg $0xFFFFFFFF  }
0xc1: {  	_ =	task.clear_ibuf [dreg:s7], $0x2FFFF;
	_ =	strace $0x9FFFFFFF  }
0xc2: {  	(tm) =	ssettm $0x7FFFFFFF  }
0xc3: {  	_ =	shalt  }
tec
execute0_lowered:
.L_overlay_start_1:
0x0: {  	(tag) =	ssettag $0x1  }
0x1: {  	s0 =	srdreg.scid;
	s21 =	rddreg [dreg:$0x0]  }
0x2: {  	s1 =	stileid.u32;
	s24 =	rddreg [dreg:$0x1];
	s3 =	simm.s32 $0x0  }
0x3: {  	s25 =	simm.s32 $0x800;
	s10 =	sand.u32 $0x1, s0;
	s23 =	sshll.u32 s1, $0x1  }
0x4: {  	s26 =	simm.s32 $0x880;
	[smem:$0x7FF] =	sst s3;
	s0 =	sor.u32 s10, s23  }
0x5: {  	_ =	strace $0x80000047;
	[dreg:$0x3] =	wrdreg s25;
	s2 =	sshll.u32 s0, $0x1  }
0x6: {  	s29 =	simm.s32 $0x900;
	[dreg:$0x5] =	wrdreg s26;
	s2 =	sadd.s32 s2, s24  }
0x7: {  	[dreg:$0x8] =	wrdreg s29;
	s4 =	sshll.u32 s0, $0x8;
	s5 =	sadd.s32 $0x400, s2  }
0x8: {  	s1 =	sadd.s32 s4, s24;
	s2 =	sadd.s32 $0x600, s2;
	[dreg:$0x4] =	wrdreg s5  }
0x9: {  	s1 =	sadd.s32 $0x800, s1;
	[dreg:$0x6] =	wrdreg s2  }
0xa: {  	[dreg:$0x7] =	wrdreg s1  }
0xb: {  	s1 =	rddreg [dreg:$0x3]  }
0xc: {  	s18 =	simm.s32 $0x3;
	s28 =	rddreg [dreg:$0x4]  }
0xd: {  	[tilespmem:s1], [sflag:$0x3] =	stream.linear.gather [hbm4b:s28+s3], $0x10, $0x38;
	[tilespmem:$0x1100] =	vst v63  }
0xe: {  	_ =	swait.ge [sflag:s18], $0x10  }
0xf: {  	s30 =	rddreg [dreg:$0x5];
	[sflag:s18] =	ssyncset.done $0x0  }
0x10: {  	s31 =	rddreg [dreg:$0x6];
	[sflag:s18] =	ssyncadd.s32 $0xFFFFFFF0  }
0x11: {  	[tilespmem:s30], [sflag:$0x3] =	stream.linear.gather [hbm4b:s31+s3], $0x10, $0x38;
	[tilespmem:$0x1100] =	vst v63  }
0x12: {  	_ =	swait.ge [sflag:s18], $0x10  }
0x13: {  	[sflag:s18] =	ssyncset.done $0x0  }
0x14: {  	[sflag:s18] =	ssyncadd.s32 $0xFFFFFFF0  }
0x15: {  	v2 =	vld [tilespmem:$0x800];
	_ =	sdelay $0x4  }
0x16: {  	(v2sf) =	vpush v2, $0x0  }
0x17: {  	(v2sf) =	vpush v2, $0x1;
	_ =	sdelay $0x5  }
0x18: {  	(v2sf) =	vpush v2, $0x2;
	_ =	sdelay $0x7  }
0x19: {  	(v2sf) =	vpush v2, $0x3;
	s2 =	spop (v2sf)  }
0x1a: {  	s24 =	smul.u32 $0x187000, s0;
	(v2sf) =	vpush v2, $0x4;
	s4 =	sshll.u32 s2, $0x3;
	s5 =	spop (v2sf)  }
0x1b: {  	(v2sf) =	vpush v2, $0x5;
	s0 =	sand.u32 $0x7FFFFC00, s4;
	s7 =	sshll.u32 s5, $0x3  }
0x1c: {  	(v2sf) =	vpush v2, $0x6;
	s0 =	sadd.s32 s24, s0;
	s4 =	sand.u32 $0x7FFFFC00, s7  }
0x1d: {  	(v2sf) =	vpush v2, $0x7;
	s0 =	sshrl.u32 s0, $0x3;
	s4 =	sadd.s32 s24, s4  }
0x1e: {  	s20 =	simm.s32 $0x400;
	(v2sf) =	vpush v2, $0x8;
	s0 =	sadd.s32 s21, s0;
	s4 =	sshrl.u32 s4, $0x3  }
0x1f: {  	v1 =	vld [tilespmem:$0x880];
	[tilespmem:s3], [sflag:$0x1] =	stream.linear.gather [hbm4b:s0+s3], $0x400, $0x38  }
0x20: {  	s11 =	spop (v2sf);
	s7 =	simm.s32 $0x1;
	s8 =	sadd.s32 s21, s4  }
0x21: {  	[tilespmem:s20], [sflag:$0x2] =	stream.linear.gather [hbm4b:s8+s3], $0x400, $0x38;
	[tilespmem:$0x1100] =	vst v63  }
0x22: {  	_ =	swait.ge [sflag:s7], $0x400  }
0x23: {  	[sflag:s7] =	ssyncset.done $0x0  }
0x24: {  	s9 =	sand.u32 $0x70, s2;
	[sflag:s7] =	ssyncadd.s32 $0xFFFFFC00  }
0x25: {  	v3 =	vld [tilespmem:s9+$0x0];
	_ =	sdelay $0x1  }
0x26: {  	s12 =	sand.u32 $0xF, s2;
	(v2sf) =	vpush v2, $0x9  }
0x27: {  	v0 =	vlaneseq.u32;
	v4 =	vmov s12;
	s17 =	spop (v2sf);
	(v2sf) =	vpush v2, $0xA  }
0x28: {  	v61 =	vbroadcast v1, $0x0;
	s13 =	sshll.u32 s11, $0x3;
	vm0 =	veq.s32 v4, v0;
	s16 =	spop (v2sf);
	(v2sf) =	vpush v2, $0xB  }
0x29: {  	s0 =	sand.u32 $0x7FFFFC00, s13;
	s15 =	spop (v2sf);
	(v2sf) =	vpush v2, $0xC;
	v3 =	vnsel vm0, $0x0, v3  }
0x2a: {  	s0 =	sadd.s32 s24, s0;
	s9 =	spop (v2sf);
	(v2sf) =	vpush v2, $0xD;
	v3 =	vmul.f32 v3, v61  }
0x2b: {  	s0 =	sshrl.u32 s0, $0x3;
	s13 =	spop (v2sf)  }
0x2c: {  	s8 =	simm.s32 $0x2;
	s0 =	sadd.s32 s21, s0;
	s6 =	spop (v2sf);
	[tilespmem:$0x900] =	vst v3  }
0x2d: {  	[tilespmem:s3], [sflag:$0x1] =	stream.linear.gather [hbm4b:s0+s3], $0x400, $0x38;
	[tilespmem:$0x1100] =	vst v63  }
0x2e: {  	_ =	swait.ge [sflag:s8], $0x400  }
0x2f: {  	[sflag:s8] =	ssyncset.done $0x0  }
0x30: {  	s14 =	sand.u32 $0x70, s5;
	[sflag:s8] =	ssyncadd.s32 $0xFFFFFC00  }
0x31: {  	v3 =	vld [tilespmem:s14+$0x480];
	_ =	sdelay $0x1  }
0x32: {  	s19 =	sand.u32 $0xF, s5  }
0x33: {  	v62 =	vmov s19  }
0x34: {  	v63 =	vbroadcast v1, $0x1;
	vm13 =	veq.s32 v62, v0;
	s22 =	sshll.u32 s17, $0x3;
	s4 =	spop (v2sf)  }
0x35: {  	s0 =	sand.u32 $0x7FFFFC00, s22;
	(v2sf) =	vpush v2, $0xE;
	s1 =	spop (v2sf);
	v3 =	vnsel vm13, $0x0, v3  }
0x36: {  	s23 =	sadd.s32 s24, s0;
	(v2sf) =	vpush v2, $0xF;
	s0 =	spop (v2sf);
	v2 =	vmul.f32 v3, v63  }
0x37: {  	s2 =	sshrl.u32 s23, $0x3;
	s14 =	spop (v2sf)  }
0x38: {  	s12 =	sadd.s32 s21, s2;
	s2 =	spop (v2sf);
	[tilespmem:$0x980] =	vst v2  }
0x39: {  	[tilespmem:s20], [sflag:$0x2] =	stream.linear.gather [hbm4b:s12+s3], $0x400, $0x38;
	[tilespmem:$0x1100] =	vst v63  }
0x3a: {  	_ =	swait.ge [sflag:s7], $0x400  }
0x3b: {  	[sflag:s7] =	ssyncset.done $0x0  }
0x3c: {  	s25 =	sand.u32 $0x70, s11;
	[sflag:s7] =	ssyncadd.s32 $0xFFFFFC00  }
0x3d: {  	v2 =	vld [tilespmem:s25+$0x100];
	_ =	sdelay $0x1  }
0x3e: {  	s11 =	sand.u32 $0xF, s11  }
0x3f: {  	v3 =	vmov s11  }
0x40: {  	s26 =	sshll.u32 s16, $0x3;
	vm14 =	veq.s32 v3, v0;
	v3 =	vbroadcast v1, $0x2  }
0x41: {  	s11 =	sand.u32 $0x7FFFFC00, s26;
	v2 =	vnsel vm14, $0x0, v2  }
0x42: {  	s11 =	sadd.s32 s24, s11;
	v2 =	vmul.f32 v2, v3  }
0x43: {  	s19 =	sshrl.u32 s11, $0x3;
	s12 =	spop (v2sf)  }
0x44: {  	s19 =	sadd.s32 s21, s19;
	s11 =	spop (v2sf);
	[tilespmem:$0xA00] =	vst v2  }
0x45: {  	[tilespmem:s3], [sflag:$0x1] =	stream.linear.gather [hbm4b:s19+s3], $0x400, $0x38;
	[tilespmem:$0x1100] =	vst v63  }
0x46: {  	_ =	swait.ge [sflag:s8], $0x400  }
0x47: {  	[sflag:s8] =	ssyncset.done $0x0  }
0x48: {  	s28 =	sand.u32 $0x70, s17;
	[sflag:s8] =	ssyncadd.s32 $0xFFFFFC00  }
0x49: {  	v2 =	vld [tilespmem:s28+$0x580];
	_ =	sdelay $0x1  }
0x4a: {  	s17 =	sand.u32 $0xF, s17  }
0x4b: {  	v3 =	vmov s17  }
0x4c: {  	s29 =	sshll.u32 s15, $0x3;
	vm15 =	veq.s32 v3, v0;
	v3 =	vbroadcast v1, $0x3  }
0x4d: {  	s17 =	sand.u32 $0x7FFFFC00, s29;
	v2 =	vnsel vm15, $0x0, v2  }
0x4e: {  	s17 =	sadd.s32 s24, s17;
	v2 =	vmul.f32 v2, v3  }
0x4f: {  	s17 =	sshrl.u32 s17, $0x3  }
0x50: {  	s17 =	sadd.s32 s21, s17;
	[tilespmem:$0xA80] =	vst v2  }
0x51: {  	[tilespmem:s20], [sflag:$0x2] =	stream.linear.gather [hbm4b:s17+s3], $0x400, $0x38;
	[tilespmem:$0x1100] =	vst v63  }
0x52: {  	_ =	swait.ge [sflag:s7], $0x400  }
0x53: {  	[sflag:s7] =	ssyncset.done $0x0  }
0x54: {  	s30 =	sand.u32 $0x70, s16;
	[sflag:s7] =	ssyncadd.s32 $0xFFFFFC00  }
0x55: {  	v2 =	vld [tilespmem:s30+$0x200];
	_ =	sdelay $0x1  }
0x56: {  	s16 =	sand.u32 $0xF, s16  }
0x57: {  	v3 =	vmov s16  }
0x58: {  	s31 =	sshll.u32 s9, $0x3;
	vm4 =	veq.s32 v3, v0;
	v3 =	vbroadcast v1, $0x4  }
0x59: {  	s16 =	sand.u32 $0x7FFFFC00, s31;
	v2 =	vnsel vm4, $0x0, v2  }
0x5a: {  	s16 =	sadd.s32 s24, s16;
	v2 =	vmul.f32 v2, v3  }
0x5b: {  	s16 =	sshrl.u32 s16, $0x3  }
0x5c: {  	s16 =	sadd.s32 s21, s16;
	[tilespmem:$0xB00] =	vst v2  }
0x5d: {  	[tilespmem:s3], [sflag:$0x1] =	stream.linear.gather [hbm4b:s16+s3], $0x400, $0x38;
	[tilespmem:$0x1100] =	vst v63  }
0x5e: {  	_ =	swait.ge [sflag:s8], $0x400  }
0x5f: {  	[sflag:s8] =	ssyncset.done $0x0  }
0x60: {  	s5 =	sand.u32 $0x70, s15;
	[sflag:s8] =	ssyncadd.s32 $0xFFFFFC00  }
0x61: {  	v2 =	vld [tilespmem:s5+$0x680];
	_ =	sdelay $0x1  }
0x62: {  	s15 =	sand.u32 $0xF, s15  }
0x63: {  	v3 =	vmov s15  }
0x64: {  	s17 =	sshll.u32 s13, $0x3;
	vm5 =	veq.s32 v3, v0;
	v3 =	vbroadcast v1, $0x5  }
0x65: {  	s15 =	sand.u32 $0x7FFFFC00, s17;
	v2 =	vnsel vm5, $0x0, v2  }
0x66: {  	s15 =	sadd.s32 s24, s15;
	v2 =	vmul.f32 v2, v3  }
0x67: {  	s15 =	sshrl.u32 s15, $0x3  }
0x68: {  	s15 =	sadd.s32 s21, s15;
	[tilespmem:$0xB80] =	vst v2  }
0x69: {  	[tilespmem:s20], [sflag:$0x2] =	stream.linear.gather [hbm4b:s15+s3], $0x400, $0x38;
	[tilespmem:$0x1100] =	vst v63  }
0x6a: {  	_ =	swait.ge [sflag:s7], $0x400  }
0x6b: {  	[sflag:s7] =	ssyncset.done $0x0  }
0x6c: {  	s19 =	sand.u32 $0x70, s9;
	[sflag:s7] =	ssyncadd.s32 $0xFFFFFC00  }
0x6d: {  	v2 =	vld [tilespmem:s19+$0x300];
	_ =	sdelay $0x1  }
0x6e: {  	s9 =	sand.u32 $0xF, s9  }
0x6f: {  	v3 =	vmov s9  }
0x70: {  	s22 =	sshll.u32 s6, $0x3;
	vm6 =	veq.s32 v3, v0;
	v3 =	vbroadcast v1, $0x6  }
0x71: {  	s9 =	sadd.s32 $0xC3800, s24;
	s15 =	sand.u32 $0x7FFFFC00, s22;
	v2 =	vnsel vm6, $0x0, v2  }
0x72: {  	s15 =	sadd.s32 s9, s15;
	v2 =	vmul.f32 v2, v3  }
0x73: {  	s15 =	sshrl.u32 s15, $0x3  }
0x74: {  	s15 =	sadd.s32 s21, s15;
	[tilespmem:$0xC00] =	vst v2  }
0x75: {  	[tilespmem:s3], [sflag:$0x1] =	stream.linear.gather [hbm4b:s15+s3], $0x400, $0x38;
	[tilespmem:$0x1100] =	vst v63  }
0x76: {  	_ =	swait.ge [sflag:s8], $0x400  }
0x77: {  	[sflag:s8] =	ssyncset.done $0x0  }
0x78: {  	s23 =	sand.u32 $0x70, s13;
	[sflag:s8] =	ssyncadd.s32 $0xFFFFFC00  }
0x79: {  	v2 =	vld [tilespmem:s23+$0x780];
	_ =	sdelay $0x1  }
0x7a: {  	s13 =	sand.u32 $0xF, s13  }
0x7b: {  	v3 =	vmov s13  }
0x7c: {  	s25 =	sshll.u32 s4, $0x3;
	vm7 =	veq.s32 v3, v0;
	v3 =	vbroadcast v1, $0x7  }
0x7d: {  	s13 =	sand.u32 $0x7FFFFC00, s25;
	v2 =	vnsel vm7, $0x0, v2  }
0x7e: {  	s13 =	sadd.s32 s9, s13;
	v2 =	vmul.f32 v2, v3  }
0x7f: {  	s13 =	sshrl.u32 s13, $0x3  }
0x80: {  	s13 =	sadd.s32 s21, s13;
	[tilespmem:$0xC80] =	vst v2  }
0x81: {  	[tilespmem:s20], [sflag:$0x2] =	stream.linear.gather [hbm4b:s13+s3], $0x400, $0x38;
	[tilespmem:$0x1100] =	vst v63  }
0x82: {  	_ =	swait.ge [sflag:s7], $0x400  }
0x83: {  	[sflag:s7] =	ssyncset.done $0x0  }
0x84: {  	s26 =	sand.u32 $0x70, s6;
	[sflag:s7] =	ssyncadd.s32 $0xFFFFFC00  }
0x85: {  	v2 =	vld [tilespmem:s26+$0x0];
	_ =	sdelay $0x1  }
0x86: {  	s6 =	sand.u32 $0xF, s6  }
0x87: {  	v3 =	vmov s6  }
0x88: {  	s28 =	sshll.u32 s1, $0x3;
	vm8 =	veq.s32 v3, v0;
	v3 =	vbroadcast v1, $0x8  }
0x89: {  	s6 =	sand.u32 $0x7FFFFC00, s28;
	v2 =	vnsel vm8, $0x0, v2  }
0x8a: {  	s6 =	sadd.s32 s9, s6;
	v2 =	vmul.f32 v2, v3  }
0x8b: {  	s6 =	sshrl.u32 s6, $0x3  }
0x8c: {  	s6 =	sadd.s32 s21, s6;
	[tilespmem:$0xD00] =	vst v2  }
0x8d: {  	[tilespmem:s3], [sflag:$0x1] =	stream.linear.gather [hbm4b:s6+s3], $0x400, $0x38;
	[tilespmem:$0x1100] =	vst v63  }
0x8e: {  	_ =	swait.ge [sflag:s8], $0x400  }
0x8f: {  	[sflag:s8] =	ssyncset.done $0x0  }
0x90: {  	s29 =	sand.u32 $0x70, s4;
	[sflag:s8] =	ssyncadd.s32 $0xFFFFFC00  }
0x91: {  	v2 =	vld [tilespmem:s29+$0x480];
	_ =	sdelay $0x1  }
0x92: {  	s4 =	sand.u32 $0xF, s4  }
0x93: {  	v3 =	vmov s4  }
0x94: {  	s30 =	sshll.u32 s0, $0x3;
	vm9 =	veq.s32 v3, v0;
	v3 =	vbroadcast v1, $0x9  }
0x95: {  	s4 =	sand.u32 $0x7FFFFC00, s30;
	v2 =	vnsel vm9, $0x0, v2  }
0x96: {  	s4 =	sadd.s32 s9, s4;
	v2 =	vmul.f32 v2, v3  }
0x97: {  	s4 =	sshrl.u32 s4, $0x3  }
0x98: {  	s4 =	sadd.s32 s21, s4;
	[tilespmem:$0xD80] =	vst v2  }
0x99: {  	[tilespmem:s20], [sflag:$0x2] =	stream.linear.gather [hbm4b:s4+s3], $0x400, $0x38;
	[tilespmem:$0x1100] =	vst v63  }
0x9a: {  	_ =	swait.ge [sflag:s7], $0x400  }
0x9b: {  	[sflag:s7] =	ssyncset.done $0x0  }
0x9c: {  	s31 =	sand.u32 $0x70, s1;
	[sflag:s7] =	ssyncadd.s32 $0xFFFFFC00  }
0x9d: {  	v2 =	vld [tilespmem:s31+$0x100];
	_ =	sdelay $0x1  }
0x9e: {  	s1 =	sand.u32 $0xF, s1  }
0x9f: {  	v3 =	vmov s1  }
0xa0: {  	vm10 =	veq.s32 v3, v0;
	v3 =	vbroadcast v1, $0xA;
	s4 =	sshll.u32 s14, $0x3  }
0xa1: {  	s1 =	sand.u32 $0x7FFFFC00, s4;
	v2 =	vnsel vm10, $0x0, v2  }
0xa2: {  	s1 =	sadd.s32 s9, s1;
	v2 =	vmul.f32 v2, v3  }
0xa3: {  	s1 =	sshrl.u32 s1, $0x3  }
0xa4: {  	s1 =	sadd.s32 s21, s1;
	[tilespmem:$0xE00] =	vst v2  }
0xa5: {  	[tilespmem:s3], [sflag:$0x1] =	stream.linear.gather [hbm4b:s1+s3], $0x400, $0x38;
	[tilespmem:$0x1100] =	vst v63  }
0xa6: {  	_ =	swait.ge [sflag:s8], $0x400  }
0xa7: {  	[sflag:s8] =	ssyncset.done $0x0  }
0xa8: {  	s5 =	sand.u32 $0x70, s0;
	[sflag:s8] =	ssyncadd.s32 $0xFFFFFC00  }
0xa9: {  	v2 =	vld [tilespmem:s5+$0x580];
	_ =	sdelay $0x1  }
0xaa: {  	s0 =	sand.u32 $0xF, s0  }
0xab: {  	v3 =	vmov s0  }
0xac: {  	s6 =	sshll.u32 s2, $0x3;
	vm11 =	veq.s32 v3, v0;
	v3 =	vbroadcast v1, $0xB  }
0xad: {  	s0 =	sand.u32 $0x7FFFFC00, s6;
	v2 =	vnsel vm11, $0x0, v2  }
0xae: {  	s0 =	sadd.s32 s9, s0;
	v2 =	vmul.f32 v2, v3  }
0xaf: {  	s0 =	sshrl.u32 s0, $0x3  }
0xb0: {  	s0 =	sadd.s32 s21, s0;
	[tilespmem:$0xE80] =	vst v2  }
0xb1: {  	[tilespmem:s20], [sflag:$0x2] =	stream.linear.gather [hbm4b:s0+s3], $0x400, $0x38;
	[tilespmem:$0x1100] =	vst v63  }
0xb2: {  	_ =	swait.ge [sflag:s7], $0x400  }
0xb3: {  	[sflag:s7] =	ssyncset.done $0x0  }
0xb4: {  	s13 =	sand.u32 $0x70, s14;
	[sflag:s7] =	ssyncadd.s32 $0xFFFFFC00  }
0xb5: {  	v2 =	vld [tilespmem:s13+$0x200];
	_ =	sdelay $0x1  }
0xb6: {  	s14 =	sand.u32 $0xF, s14  }
0xb7: {  	v3 =	vmov s14  }
0xb8: {  	s15 =	sshll.u32 s12, $0x3;
	vm12 =	veq.s32 v3, v0;
	v3 =	vbroadcast v1, $0xC  }
0xb9: {  	s0 =	sand.u32 $0x7FFFFC00, s15;
	v2 =	vnsel vm12, $0x0, v2  }
0xba: {  	s0 =	sadd.s32 s9, s0;
	v2 =	vmul.f32 v2, v3  }
0xbb: {  	s0 =	sshrl.u32 s0, $0x3  }
0xbc: {  	s0 =	sadd.s32 s21, s0;
	[tilespmem:$0xF00] =	vst v2  }
0xbd: {  	[tilespmem:s3], [sflag:$0x1] =	stream.linear.gather [hbm4b:s0+s3], $0x400, $0x38;
	[tilespmem:$0x1100] =	vst v63  }
0xbe: {  	_ =	swait.ge [sflag:s8], $0x400  }
0xbf: {  	[sflag:s8] =	ssyncset.done $0x0  }
0xc0: {  	s16 =	sand.u32 $0x70, s2;
	[sflag:s8] =	ssyncadd.s32 $0xFFFFFC00  }
0xc1: {  	v2 =	vld [tilespmem:s16+$0x680];
	_ =	sdelay $0x1  }
0xc2: {  	s17 =	sand.u32 $0xF, s2  }
0xc3: {  	v3 =	vmov s17  }
0xc4: {  	s19 =	sshll.u32 s11, $0x3;
	vm13 =	veq.s32 v3, v0;
	v3 =	vbroadcast v1, $0xD  }
0xc5: {  	s0 =	sand.u32 $0x7FFFFC00, s19;
	v2 =	vnsel vm13, $0x0, v2  }
0xc6: {  	s0 =	sadd.s32 s9, s0;
	v2 =	vmul.f32 v2, v3  }
0xc7: {  	s0 =	sshrl.u32 s0, $0x3  }
0xc8: {  	s0 =	sadd.s32 s21, s0;
	[tilespmem:$0xF80] =	vst v2  }
0xc9: {  	[tilespmem:s20], [sflag:$0x2] =	stream.linear.gather [hbm4b:s0+s3], $0x400, $0x38;
	[tilespmem:$0x1100] =	vst v63  }
0xca: {  	_ =	swait.ge [sflag:s7], $0x400  }
0xcb: {  	[sflag:s7] =	ssyncset.done $0x0  }
0xcc: {  	s22 =	sand.u32 $0x70, s12;
	[sflag:s7] =	ssyncadd.s32 $0xFFFFFC00  }
0xcd: {  	v2 =	vld [tilespmem:s22+$0x300];
	_ =	sdelay $0x1  }
0xce: {  	s23 =	sand.u32 $0xF, s12  }
0xcf: {  	v3 =	vmov s23  }
0xd0: {  	vm14 =	veq.s32 v3, v0;
	v3 =	vbroadcast v1, $0xE  }
0xd1: {  	v2 =	vnsel vm14, $0x0, v2  }
0xd2: {  	v2 =	vmul.f32 v2, v3;
	_ =	sdelay $0x1  }
0xd3: {  	[tilespmem:$0x1000] =	vst v2  }
0xd4: {  	_ =	swait.ge [sflag:s8], $0x400  }
0xd5: {  	[sflag:s8] =	ssyncset.done $0x0  }
0xd6: {  	s25 =	sand.u32 $0x70, s11;
	[sflag:s8] =	ssyncadd.s32 $0xFFFFFC00  }
0xd7: {  	v2 =	vld [tilespmem:s25+$0x780]  }
0xd8: {  	s30 =	ssub.s32 $0x2, s10  }
0xd9: {  	s26 =	sand.u32 $0xF, s11;
	s31 =	sshrl.u32 s30, $0x1  }
0xda: {  	s0 =	ssub.s32 s30, s31;
	v3 =	vmov s26  }
0xdb: {  	v1 =	vbroadcast v1, $0xF;
	s0 =	smax.u32 s0, $0x1;
	vm15 =	veq.s32 v3, v0  }
0xdc: {  	p0 =	sne.s32 s0, $0x1;
	v2 =	vnsel vm15, $0x0, v2  }
.Ltmp0:
0xdd: {  	v1 =	vmul.f32 v2, v1;
	(pc) =	sbr.rel @!p0 .LBB2_3-.Ltmp0, $4  }
0xde: {  	s28 =	rddreg [dreg:$0x8]  }
0xdf: {  	s29 =	rddreg [dreg:$0x7];
	[tilespmem:$0x1080] =	vst v1  }
0xe0: {  	[hbm4b:s29+s3] =	stream.linear.scatter [tilespmem:s28], [sflag:$0x3], $0x800, $0x38;
	[tilespmem:$0x1100] =	vst v63  }
0xe1: {  	s10 =	sadd.s32 $0xFFFFFFFF, s0;
	_ =	swait.ge [sflag:s18], $0x800  }
0xe2: {  	s25 =	simm.s32 $0x400  }
.LBB2_2:
0xe3: {  	s2 =	simm.s32 $0x3  }
0xe4: {  	s0 =	rddreg [dreg:$0x3];
	[sflag:s2] =	ssyncset.done $0x0  }
0xe5: {  	s1 =	rddreg [dreg:$0x4];
	[sflag:s2] =	ssyncadd.s32 $0xFFFFF800  }
0xe6: {  	[tilespmem:s0], [sflag:$0x3] =	stream.linear.gather [hbm4b:s1+s3], $0x10, $0x38;
	[tilespmem:$0x1100] =	vst v63  }
0xe7: {  	_ =	swait.ge [sflag:s2], $0x10  }
0xe8: {  	s16 =	rddreg [dreg:$0x5];
	[sflag:s2] =	ssyncset.done $0x0  }
0xe9: {  	s17 =	rddreg [dreg:$0x6];
	[sflag:s2] =	ssyncadd.s32 $0xFFFFFFF0  }
0xea: {  	[tilespmem:s16], [sflag:$0x3] =	stream.linear.gather [hbm4b:s17+s3], $0x10, $0x38;
	[tilespmem:$0x1100] =	vst v63  }
0xeb: {  	_ =	swait.ge [sflag:s2], $0x10  }
0xec: {  	[sflag:s2] =	ssyncset.done $0x0  }
0xed: {  	[sflag:s2] =	ssyncadd.s32 $0xFFFFFFF0  }
0xee: {  	v2 =	vld [tilespmem:$0x800];
	_ =	sdelay $0x4  }
0xef: {  	(v2sf) =	vpush v2, $0x0  }
0xf0: {  	(v2sf) =	vpush v2, $0x1;
	_ =	sdelay $0x1  }
0xf1: {  	(v2sf) =	vpush v2, $0x2;
	_ =	sdelay $0x7  }
0xf2: {  	(v2sf) =	vpush v2, $0x3  }
0xf3: {  	(v2sf) =	vpush v2, $0x4;
	_ =	sdelay $0x2  }
0xf4: {  	(v2sf) =	vpush v2, $0x5;
	s18 =	spop (v2sf)  }
0xf5: {  	s19 =	sshll.u32 s18, $0x3;
	s0 =	spop (v2sf)  }
0xf6: {  	(v2sf) =	vpush v2, $0x6;
	s4 =	sand.u32 $0xF, s18;
	s2 =	sand.u32 $0x7FFFFC00, s19;
	s6 =	sshll.u32 s0, $0x3  }
0xf7: {  	s11 =	spop (v2sf);
	(v2sf) =	vpush v2, $0x7;
	s2 =	sadd.s32 s24, s2;
	s20 =	sand.u32 $0x7FFFFC00, s6  }
0xf8: {  	s5 =	rddreg [dreg:$0x0];
	v3 =	vmov s4;
	s2 =	sshrl.u32 s2, $0x3;
	s4 =	sadd.s32 s24, s20  }
0xf9: {  	(v2sf) =	vpush v2, $0x8;
	s2 =	sadd.s32 s5, s2;
	s4 =	sshrl.u32 s4, $0x3  }
0xfa: {  	v1 =	vld [tilespmem:$0x880];
	[tilespmem:s3], [sflag:$0x1] =	stream.linear.gather [hbm4b:s2+s3], $0x400, $0x38  }
0xfb: {  	s21 =	sshll.u32 s11, $0x3;
	s22 =	sadd.s32 s5, s4  }
0xfc: {  	[tilespmem:s25], [sflag:$0x2] =	stream.linear.gather [hbm4b:s22+s3], $0x400, $0x38;
	[tilespmem:$0x1100] =	vst v63  }
0xfd: {  	s6 =	sand.u32 $0x7FFFFC00, s21;
	_ =	swait.ge [sflag:s7], $0x400  }
0xfe: {  	s12 =	sand.u32 $0x70, s18;
	s6 =	sadd.s32 s24, s6;
	[sflag:s7] =	ssyncset.done $0x0  }
0xff: {  	s23 =	sshrl.u32 s6, $0x3;
	s6 =	spop (v2sf);
	(v2sf) =	vpush v2, $0x9;
	[sflag:s7] =	ssyncadd.s32 $0xFFFFFC00  }
0x100: {  	s28 =	sand.u32 $0xF, s0;
	s0 =	sand.u32 $0x70, s0;
	s1 =	spop (v2sf);
	(v2sf) =	vpush v2, $0xA;
	v5 =	vld [tilespmem:s12+$0x0]  }
0x101: {  	s29 =	sand.u32 $0xF, s11;
	s4 =	sadd.s32 s5, s23;
	s30 =	sshll.u32 s6, $0x3;
	(v2sf) =	vpush v2, $0xB  }
0x102: {  	s14 =	sand.u32 $0xF, s6;
	s31 =	sand.u32 $0x7FFFFC00, s30;
	s13 =	sshll.u32 s1, $0x3  }
0x103: {  	s30 =	spop (v2sf);
	s15 =	sand.u32 $0xF, s1;
	s2 =	sadd.s32 s24, s31  }
0x104: {  	vm0 =	veq.s32 v3, v0;
	v3 =	vbroadcast v1, $0x0;
	v12 =	vmov s14;
	s13 =	sand.u32 $0x7FFFFC00, s13;
	s14 =	sshll.u32 s30, $0x3;
	s12 =	sshrl.u32 s2, $0x3  }
0x105: {  	v4 =	vmov s28;
	s2 =	sadd.s32 s24, s13;
	s16 =	sand.u32 $0x7FFFFC00, s14;
	s28 =	spop (v2sf);
	(v2sf) =	vpush v2, $0xC;
	v5 =	vnsel vm0, $0x0, v5  }
0x106: {  	s17 =	sshrl.u32 s2, $0x3;
	s2 =	sadd.s32 s24, s16;
	s26 =	spop (v2sf);
	(v2sf) =	vpush v2, $0xD;
	v3 =	vmul.f32 v5, v3  }
0x107: {  	v11 =	vmov s15;
	s15 =	sand.u32 $0xF, s30;
	s18 =	sshll.u32 s28, $0x3;
	s13 =	sshrl.u32 s2, $0x3  }
0x108: {  	s21 =	sand.u32 $0xF, s28;
	s20 =	sshll.u32 s26, $0x3;
	s23 =	spop (v2sf);
	[tilespmem:$0x900] =	vst v3  }
0x109: {  	[tilespmem:s3], [sflag:$0x1] =	stream.linear.gather [hbm4b:s4+s3], $0x400, $0x38;
	[tilespmem:$0x1100] =	vst v63  }
0x10a: {  	s19 =	sand.u32 $0x7FFFFC00, s18;
	s14 =	sand.u32 $0x7FFFFC00, s20;
	_ =	swait.ge [sflag:s8], $0x400  }
0x10b: {  	v13 =	vmov s29;
	s29 =	sshll.u32 s23, $0x3;
	s14 =	sadd.s32 s24, s14;
	[sflag:s8] =	ssyncset.done $0x0  }
0x10c: {  	s4 =	sshrl.u32 s14, $0x3;
	s14 =	sand.u32 $0x7FFFFC00, s29;
	[sflag:s8] =	ssyncadd.s32 $0xFFFFFC00  }
0x10d: {  	s2 =	sadd.s32 s24, s19;
	s22 =	sand.u32 $0xF, s26;
	s14 =	sadd.s32 s9, s14;
	v3 =	vld [tilespmem:s0+$0x480]  }
0x10e: {  	v8 =	vmov s22;
	s31 =	sand.u32 $0xF, s23;
	s0 =	sshrl.u32 s14, $0x3;
	s22 =	spop (v2sf)  }
0x10f: {  	(v2sf) =	vpush v2, $0xE;
	s16 =	sshll.u32 s22, $0x3;
	s18 =	sand.u32 $0xF, s22;
	s19 =	spop (v2sf)  }
0x110: {  	vm13 =	veq.s32 v4, v0;
	s14 =	sand.u32 $0x7FFFFC00, s16;
	s20 =	sshll.u32 s19, $0x3;
	s16 =	spop (v2sf)  }
0x111: {  	v9 =	vmov s21;
	(v2sf) =	vpush v2, $0xF;
	v2 =	vbroadcast v1, $0x1;
	s14 =	sadd.s32 s9, s14;
	s21 =	sand.u32 $0x7FFFFC00, s20;
	s29 =	sshll.u32 s16, $0x3  }
0x112: {  	v7 =	vmov s31;
	v6 =	vmov s18;
	s31 =	sshrl.u32 s14, $0x3;
	s18 =	sadd.s32 s9, s21;
	s20 =	sand.u32 $0x7FFFFC00, s29;
	v3 =	vnsel vm13, $0x0, v3  }
0x113: {  	s29 =	sshrl.u32 s18, $0x3;
	s21 =	sadd.s32 s9, s20;
	s18 =	sand.u32 $0xF, s19;
	v2 =	vmul.f32 v3, v2  }
0x114: {  	v10 =	vmov s15;
	s15 =	spop (v2sf);
	[dreg:$0xb] =	wrdreg s18;
	s14 =	sshrl.u32 s21, $0x3  }
0x115: {  	s12 =	sadd.s32 s5, s12;
	[dreg:$0xd] =	wrdreg s14;
	s14 =	spop (v2sf);
	[tilespmem:$0x980] =	vst v2  }
0x116: {  	[tilespmem:s25], [sflag:$0x2] =	stream.linear.gather [hbm4b:s12+s3], $0x400, $0x38;
	[tilespmem:$0x1100] =	vst v63  }
0x117: {  	_ =	swait.ge [sflag:s7], $0x400  }
0x118: {  	[sflag:s7] =	ssyncset.done $0x0  }
0x119: {  	s11 =	sand.u32 $0x70, s11;
	[sflag:s7] =	ssyncadd.s32 $0xFFFFFC00  }
0x11a: {  	s20 =	sand.u32 $0xF, s16;
	s21 =	sshll.u32 s15, $0x3;
	v14 =	vld [tilespmem:s11+$0x100]  }
0x11b: {  	v37 =	vmov s20;
	s20 =	sand.u32 $0x7FFFFC00, s21  }
0x11c: {  	s21 =	sadd.s32 s9, s20  }
0x11d: {  	s18 =	sand.u32 $0xF, s15;
	s12 =	sshrl.u32 s21, $0x3  }
0x11e: {  	v39 =	vbroadcast v1, $0x2;
	vm14 =	veq.s32 v13, v0;
	v38 =	vmov s18;
	s18 =	sshll.u32 s14, $0x3;
	[dreg:$0xc] =	wrdreg s12;
	s12 =	spop (v2sf)  }
0x11f: {  	s20 =	sand.u32 $0x7FFFFC00, s18;
	s21 =	sand.u32 $0xF, s14;
	s18 =	sshll.u32 s12, $0x3;
	v14 =	vnsel vm14, $0x0, v14  }
0x120: {  	v3 =	vmov s21;
	s21 =	sand.u32 $0xF, s12;
	s11 =	sand.u32 $0x7FFFFC00, s18;
	v13 =	vmul.f32 v14, v39  }
0x121: {  	[dreg:$0x9] =	wrdreg s21;
	s11 =	sadd.s32 s9, s11  }
0x122: {  	s17 =	sadd.s32 s5, s17;
	[dreg:$0xa] =	wrdreg s11;
	s11 =	spop (v2sf);
	[tilespmem:$0xA00] =	vst v13  }
0x123: {  	[tilespmem:s3], [sflag:$0x1] =	stream.linear.gather [hbm4b:s17+s3], $0x400, $0x38;
	[tilespmem:$0x1100] =	vst v63  }
0x124: {  	_ =	swait.ge [sflag:s8], $0x400  }
0x125: {  	[sflag:s8] =	ssyncset.done $0x0  }
0x126: {  	s6 =	sand.u32 $0x70, s6;
	[sflag:s8] =	ssyncadd.s32 $0xFFFFFC00  }
0x127: {  	v40 =	vld [tilespmem:s6+$0x580];
	_ =	sdelay $0x3  }
0x128: {  	v41 =	vbroadcast v1, $0x3;
	vm15 =	veq.s32 v12, v0  }
0x129: {  	v13 =	vnsel vm15, $0x0, v40  }
0x12a: {  	v12 =	vmul.f32 v13, v41  }
0x12b: {  	s21 =	sand.u32 $0xF, s11  }
0x12c: {  	v2 =	vmov s21;
	s21 =	sadd.s32 s5, s13;
	[tilespmem:$0xA80] =	vst v12  }
0x12d: {  	[tilespmem:s25], [sflag:$0x2] =	stream.linear.gather [hbm4b:s21+s3], $0x400, $0x38;
	[tilespmem:$0x1100] =	vst v63  }
0x12e: {  	_ =	swait.ge [sflag:s7], $0x400  }
0x12f: {  	[sflag:s7] =	ssyncset.done $0x0  }
0x130: {  	s1 =	sand.u32 $0x70, s1;
	[sflag:s7] =	ssyncadd.s32 $0xFFFFFC00  }
0x131: {  	v42 =	vld [tilespmem:s1+$0x200];
	_ =	sdelay $0x3  }
0x132: {  	v43 =	vbroadcast v1, $0x4;
	vm4 =	veq.s32 v11, v0  }
0x133: {  	v12 =	vnsel vm4, $0x0, v42  }
0x134: {  	v11 =	vmul.f32 v12, v43  }
0x135: {  	s2 =	sshrl.u32 s2, $0x3  }
0x136: {  	s6 =	sadd.s32 s5, s2;
	[tilespmem:$0xB00] =	vst v11  }
0x137: {  	[tilespmem:s3], [sflag:$0x1] =	stream.linear.gather [hbm4b:s6+s3], $0x400, $0x38;
	[tilespmem:$0x1100] =	vst v63  }
0x138: {  	_ =	swait.ge [sflag:s8], $0x400  }
0x139: {  	[sflag:s8] =	ssyncset.done $0x0  }
0x13a: {  	s13 =	sand.u32 $0x70, s30;
	[sflag:s8] =	ssyncadd.s32 $0xFFFFFC00  }
0x13b: {  	v44 =	vld [tilespmem:s13+$0x680];
	_ =	sdelay $0x3  }
0x13c: {  	v45 =	vbroadcast v1, $0x5;
	vm5 =	veq.s32 v10, v0  }
0x13d: {  	v11 =	vnsel vm5, $0x0, v44  }
0x13e: {  	v10 =	vmul.f32 v11, v45;
	_ =	sdelay $0x1  }
0x13f: {  	s17 =	sadd.s32 s5, s4;
	[tilespmem:$0xB80] =	vst v10  }
0x140: {  	[tilespmem:s25], [sflag:$0x2] =	stream.linear.gather [hbm4b:s17+s3], $0x400, $0x38;
	[tilespmem:$0x1100] =	vst v63  }
0x141: {  	_ =	swait.ge [sflag:s7], $0x400  }
0x142: {  	[sflag:s7] =	ssyncset.done $0x0  }
0x143: {  	s21 =	sand.u32 $0x70, s28;
	[sflag:s7] =	ssyncadd.s32 $0xFFFFFC00  }
0x144: {  	v46 =	vld [tilespmem:s21+$0x300];
	_ =	sdelay $0x3  }
0x145: {  	v47 =	vbroadcast v1, $0x6;
	vm6 =	veq.s32 v9, v0  }
0x146: {  	v10 =	vnsel vm6, $0x0, v46  }
0x147: {  	v9 =	vmul.f32 v10, v47;
	_ =	sdelay $0x1  }
0x148: {  	s0 =	sadd.s32 s5, s0;
	[tilespmem:$0xC00] =	vst v9  }
0x149: {  	[tilespmem:s3], [sflag:$0x1] =	stream.linear.gather [hbm4b:s0+s3], $0x400, $0x38;
	[tilespmem:$0x1100] =	vst v63  }
0x14a: {  	_ =	swait.ge [sflag:s8], $0x400  }
0x14b: {  	[sflag:s8] =	ssyncset.done $0x0  }
0x14c: {  	s26 =	sand.u32 $0x70, s26;
	[sflag:s8] =	ssyncadd.s32 $0xFFFFFC00  }
0x14d: {  	v48 =	vld [tilespmem:s26+$0x780];
	_ =	sdelay $0x3  }
0x14e: {  	v49 =	vbroadcast v1, $0x7;
	vm7 =	veq.s32 v8, v0  }
0x14f: {  	v9 =	vnsel vm7, $0x0, v48  }
0x150: {  	v8 =	vmul.f32 v9, v49;
	_ =	sdelay $0x1  }
0x151: {  	s28 =	sadd.s32 s5, s31;
	[tilespmem:$0xC80] =	vst v8  }
0x152: {  	[tilespmem:s25], [sflag:$0x2] =	stream.linear.gather [hbm4b:s28+s3], $0x400, $0x38;
	[tilespmem:$0x1100] =	vst v63  }
0x153: {  	_ =	swait.ge [sflag:s7], $0x400  }
0x154: {  	[sflag:s7] =	ssyncset.done $0x0  }
0x155: {  	s30 =	sand.u32 $0x70, s23;
	[sflag:s7] =	ssyncadd.s32 $0xFFFFFC00  }
0x156: {  	v50 =	vld [tilespmem:s30+$0x0];
	_ =	sdelay $0x3  }
0x157: {  	v51 =	vbroadcast v1, $0x8;
	vm8 =	veq.s32 v7, v0  }
0x158: {  	v8 =	vnsel vm8, $0x0, v50  }
0x159: {  	v7 =	vmul.f32 v8, v51;
	_ =	sdelay $0x1  }
0x15a: {  	s31 =	sadd.s32 s5, s29;
	[tilespmem:$0xD00] =	vst v7  }
0x15b: {  	[tilespmem:s3], [sflag:$0x1] =	stream.linear.gather [hbm4b:s31+s3], $0x400, $0x38;
	[tilespmem:$0x1100] =	vst v63  }
0x15c: {  	_ =	swait.ge [sflag:s8], $0x400  }
0x15d: {  	[sflag:s8] =	ssyncset.done $0x0  }
0x15e: {  	s1 =	sand.u32 $0x70, s22;
	[sflag:s8] =	ssyncadd.s32 $0xFFFFFC00  }
0x15f: {  	v52 =	vld [tilespmem:s1+$0x480];
	_ =	sdelay $0x3  }
0x160: {  	v53 =	vbroadcast v1, $0x9;
	vm9 =	veq.s32 v6, v0  }
0x161: {  	v7 =	vnsel vm9, $0x0, v52  }
0x162: {  	v6 =	vmul.f32 v7, v53  }
0x163: {  	s2 =	rddreg [dreg:$0xd]  }
0x164: {  	s0 =	sadd.s32 s5, s2;
	[tilespmem:$0xD80] =	vst v6  }
0x165: {  	[tilespmem:s25], [sflag:$0x2] =	stream.linear.gather [hbm4b:s0+s3], $0x400, $0x38;
	[tilespmem:$0x1100] =	vst v63  }
0x166: {  	_ =	swait.ge [sflag:s7], $0x400  }
0x167: {  	[sflag:s7] =	ssyncset.done $0x0  }
0x168: {  	s4 =	sand.u32 $0x70, s19;
	[sflag:s7] =	ssyncadd.s32 $0xFFFFFC00  }
0x169: {  	v54 =	vld [tilespmem:s4+$0x100];
	_ =	sdelay $0x1  }
0x16a: {  	s6 =	rddreg [dreg:$0xb]  }
0x16b: {  	v55 =	vmov s6  }
0x16c: {  	v56 =	vbroadcast v1, $0xA;
	vm10 =	veq.s32 v55, v0  }
0x16d: {  	v6 =	vnsel vm10, $0x0, v54  }
0x16e: {  	v6 =	vmul.f32 v6, v56  }
0x16f: {  	s13 =	rddreg [dreg:$0xc]  }
0x170: {  	s0 =	sadd.s32 s5, s13;
	[tilespmem:$0xE00] =	vst v6  }
0x171: {  	[tilespmem:s3], [sflag:$0x1] =	stream.linear.gather [hbm4b:s0+s3], $0x400, $0x38;
	[tilespmem:$0x1100] =	vst v63  }
0x172: {  	_ =	swait.ge [sflag:s8], $0x400  }
0x173: {  	[sflag:s8] =	ssyncset.done $0x0  }
0x174: {  	s16 =	sand.u32 $0x70, s16;
	[sflag:s8] =	ssyncadd.s32 $0xFFFFFC00  }
0x175: {  	v57 =	vld [tilespmem:s16+$0x580];
	_ =	sdelay $0x3  }
0x176: {  	v58 =	vbroadcast v1, $0xB;
	vm11 =	veq.s32 v37, v0  }
0x177: {  	v6 =	vnsel vm11, $0x0, v57  }
0x178: {  	s20 =	sadd.s32 s9, s20;
	v5 =	vmul.f32 v6, v58  }
0x179: {  	s20 =	sshrl.u32 s20, $0x3  }
0x17a: {  	s17 =	sadd.s32 s5, s20;
	[tilespmem:$0xE80] =	vst v5  }
0x17b: {  	[tilespmem:s25], [sflag:$0x2] =	stream.linear.gather [hbm4b:s17+s3], $0x400, $0x38;
	[tilespmem:$0x1100] =	vst v63  }
0x17c: {  	_ =	swait.ge [sflag:s7], $0x400  }
0x17d: {  	[sflag:s7] =	ssyncset.done $0x0  }
0x17e: {  	s19 =	sand.u32 $0x70, s15;
	[sflag:s7] =	ssyncadd.s32 $0xFFFFFC00  }
0x17f: {  	v59 =	vld [tilespmem:s19+$0x200];
	_ =	sdelay $0x3  }
0x180: {  	v60 =	vbroadcast v1, $0xC;
	vm12 =	veq.s32 v38, v0  }
0x181: {  	v5 =	vnsel vm12, $0x0, v59  }
0x182: {  	s20 =	rddreg [dreg:$0xa];
	v4 =	vmul.f32 v5, v60  }
0x183: {  	s0 =	sshrl.u32 s20, $0x3  }
0x184: {  	s0 =	sadd.s32 s5, s0;
	[tilespmem:$0xF00] =	vst v4  }
0x185: {  	[tilespmem:s3], [sflag:$0x1] =	stream.linear.gather [hbm4b:s0+s3], $0x400, $0x38;
	[tilespmem:$0x1100] =	vst v63  }
0x186: {  	_ =	swait.ge [sflag:s8], $0x400  }
0x187: {  	[sflag:s8] =	ssyncset.done $0x0  }
0x188: {  	s21 =	sand.u32 $0x70, s14;
	[sflag:s8] =	ssyncadd.s32 $0xFFFFFC00  }
0x189: {  	v61 =	vld [tilespmem:s21+$0x680];
	_ =	sdelay $0x3  }
0x18a: {  	vm13 =	veq.s32 v3, v0;
	v3 =	vbroadcast v1, $0xD;
	s18 =	sshll.u32 s11, $0x3  }
0x18b: {  	s18 =	sand.u32 $0x7FFFFC00, s18;
	v4 =	vnsel vm13, $0x0, v61  }
0x18c: {  	s18 =	sadd.s32 s9, s18;
	v3 =	vmul.f32 v4, v3  }
0x18d: {  	s18 =	sshrl.u32 s18, $0x3  }
0x18e: {  	s22 =	sadd.s32 s5, s18;
	[tilespmem:$0xF80] =	vst v3  }
0x18f: {  	[tilespmem:s25], [sflag:$0x2] =	stream.linear.gather [hbm4b:s22+s3], $0x400, $0x38;
	[tilespmem:$0x1100] =	vst v63  }
0x190: {  	_ =	swait.ge [sflag:s7], $0x400  }
0x191: {  	[sflag:s7] =	ssyncset.done $0x0  }
0x192: {  	s23 =	sand.u32 $0x70, s12;
	[sflag:s7] =	ssyncadd.s32 $0xFFFFFC00  }
0x193: {  	v3 =	vld [tilespmem:s23+$0x300];
	_ =	sdelay $0x1  }
0x194: {  	s26 =	rddreg [dreg:$0x9]  }
0x195: {  	v62 =	vmov s26  }
0x196: {  	v63 =	vbroadcast v1, $0xE;
	vm14 =	veq.s32 v62, v0  }
0x197: {  	v3 =	vnsel vm14, $0x0, v3  }
0x198: {  	v3 =	vmul.f32 v3, v63;
	_ =	sdelay $0x1  }
0x199: {  	[tilespmem:$0x1000] =	vst v3  }
0x19a: {  	_ =	swait.ge [sflag:s8], $0x400  }
0x19b: {  	[sflag:s8] =	ssyncset.done $0x0  }
0x19c: {  	s28 =	sand.u32 $0x70, s11;
	[sflag:s8] =	ssyncadd.s32 $0xFFFFFC00  }
0x19d: {  	v3 =	vld [tilespmem:s28+$0x780];
	_ =	sdelay $0x3  }
0x19e: {  	v1 =	vbroadcast v1, $0xF;
	vm15 =	veq.s32 v2, v0  }
0x19f: {  	p0 =	sne.s32 s10, $0x1;
	v2 =	vnsel vm15, $0x0, v3  }
.Ltmp1:
0x1a0: {  	v1 =	vmul.f32 v2, v1;
	(pc) =	sbr.rel @p0 .LBB2_2-.Ltmp1, $4  }
0x1a1: {  	s29 =	rddreg [dreg:$0x8]  }
0x1a2: {  	s31 =	simm.s32 $0x3;
	s30 =	rddreg [dreg:$0x7];
	[tilespmem:$0x1080] =	vst v1  }
0x1a3: {  	[hbm4b:s30+s3] =	stream.linear.scatter [tilespmem:s29], [sflag:$0x3], $0x800, $0x38;
	[tilespmem:$0x1100] =	vst v63  }
0x1a4: {  	s10 =	sadd.s32 $0xFFFFFFFF, s10;
	_ =	swait.ge [sflag:s31], $0x800  }
.LBB2_3:
0x1a5: {  	s0 =	simm.s32 $0x3  }
0x1a6: {  	[sflag:s0] =	ssyncset.done $0x0  }
0x1a7: {  	[sflag:s0] =	ssyncadd.s32 $0xFFFFF800  }
0x1a8: {  	_ =	sfence.sel $0x180000  }
0x1a9: {  	[bflag:$0x0] =	sbarrier.arrive $0xFFFF  }
0x1aa: {  	_ =	strace $0x90000047  }
0x1ab: {  	s31 =	stileid.u32;
	[bflag:$0x2] =	sbarrier.arrive $0xFFFF  }
0x1ac: {  	p0 =	sne.s32 s31, $0x0;
	s0 =	rddreg [dreg:$0x2]  }
0x1ad: {  	s0 =	sadd.s32 @!p0 $0x100000, s0  }
0x1ae: {  	[sflag:s0] =	ssyncadd.tile.s32 @!p0 $0x1;
	_ =	shalt  }
.Lfunc_end2:
_tile_overlayer_lowered:
.L_overlay_start_2:
0x1af: {  	(tag) =	ssettag $0x2  }
0x1b0: {  	s0 =	rddreg [dreg:$0x0];
	s2 =	stileid.u32  }
0x1b1: {  	s1 =	rddreg [dreg:$0x1];
	p0 =	sne.s32 s2, $0x0  }
0x1b2: {  	s3 =	rddreg [dreg:$0x2];
	[bflag:$0x3] =	sbarrier.arrive $0xFFFF;
	s2 =	simm.s32 @!p0 $0x1C03  }
0x1b3: {  	[timem:s3], [sflag:s2] =	dma.local @!p0 [hbm:s0], s1  }
0x1b4: {  	s0 =	simm.s32 @!p0 $0x3  }
0x1b5: {  	_ =	swait.ge @!p0 [sflag:s0], s1  }
0x1b6: {  	s1 =	ssub.s32 @!p0 $0x0, s1;
	[sflag:s0] =	ssyncset.done @!p0 $0x0  }
0x1b7: {  	[sflag:s0] =	ssyncadd.s32 @!p0 s1  }
0x1b8: {  	[bflag:$0x3] =	sbarrier.arrive $0xFFFF  }
0x1b9: {  	_ =	shalt  }

</sc_bundles>
